<compile_context>
chip_gen: v7x
topology: tpu7x:2x2x1
jax: 0.10.2.dev20260603
libtpu: 0.0.44.dev20260713+nightly
codegen_flags: <defaults>
</compile_context>

<pallas_src>
import functools

import jax
import jax.numpy as jnp
from jax import lax
from jax.experimental import pallas as pl
from jax.experimental.pallas import tpu as pltpu
from jax.experimental.pallas import tpu_sc as plsc

BN = 32
Q = 64
P = 64
R = 64
LANES = 16
NCHUNK = R // LANES
TOTAL = BN * Q * P * R
NBUF = 4


@functools.partial(
    pl.kernel,
    out_type=jax.ShapeDtypeStruct((BN, LANES), jnp.float32),
    mesh=plsc.VectorSubcoreMesh(core_axis_name="c", subcore_axis_name="s"),
    compiler_params=pltpu.CompilerParams(needs_layout_passes=False),
    scratch_types=(
        [pltpu.VMEM((P, R), jnp.float32) for _ in range(NBUF)]
        + [pltpu.VMEM((P, R), jnp.int32) for _ in range(NBUF)]
        + [pltpu.VMEM((P, R), jnp.float32) for _ in range(NBUF)]
        + [pltpu.VMEM((LANES,), jnp.float32)]
        + [pltpu.SemaphoreType.DMA for _ in range(NBUF)]
    ),
)
def _pjc_sc(x_hbm, tgt_hbm, idx_hbm, out_hbm, *refs):
    xqs = refs[0:NBUF]
    idxs = refs[NBUF:2 * NBUF]
    tgts = refs[2 * NBUF:3 * NBUF]
    acc_v = refs[3 * NBUF]
    sems = refs[3 * NBUF + 1:3 * NBUF + 1 + NBUF]

    w = lax.axis_index("s") * 2 + lax.axis_index("c")

    def issue(u, b):
        pltpu.async_copy(x_hbm.at[w, u], xqs[b], sems[b])
        pltpu.async_copy(idx_hbm.at[w, :, u, :], idxs[b], sems[b])
        pltpu.async_copy(tgt_hbm.at[w, :, u, :], tgts[b], sems[b])

    def drain(u, b):
        pltpu.make_async_copy(x_hbm.at[w, u], xqs[b], sems[b]).wait()
        pltpu.make_async_copy(idx_hbm.at[w, :, u, :], idxs[b], sems[b]).wait()
        pltpu.make_async_copy(tgt_hbm.at[w, :, u, :], tgts[b], sems[b]).wait()

    def unit_compute(b, accs):
        xq, idxb, tgtb = xqs[b], idxs[b], tgts[b]

        def body(p, a):
            a = list(a)
            pv = jnp.full((LANES,), 0, jnp.int32) + p
            for c in range(NCHUNK):
                iv = idxb[p, pl.ds(c * LANES, LANES)]
                g = plsc.load_gather(xq, [pv, iv])
                t = tgtb[p, pl.ds(c * LANES, LANES)]
                d = g - t
                a[c] = a[c] + d * d
            return tuple(a)
        return plsc.parallel_loop(0, P, unroll=4, carry=accs)(body)

    for b in range(NBUF):
        issue(b, b)

    def group_body(g, accs):
        u0 = g * NBUF
        for b in range(NBUF):
            u = u0 + b
            drain(u, b)
            accs = unit_compute(b, accs)

            @pl.when(u + NBUF < Q)
            def _():
                issue(u + NBUF, b)
        return accs

    zero = jnp.zeros((LANES,), jnp.float32)
    accs = lax.fori_loop(0, Q // NBUF, group_body, (zero, zero, zero, zero))
    total = (accs[0] + accs[1]) + (accs[2] + accs[3])
    acc_v[...] = total * (1.0 / TOTAL)
    pltpu.sync_copy(acc_v, out_hbm.at[w])


TB = 8


def _xt_body(x_ref, o_ref):
    o_ref[...] = jnp.swapaxes(x_ref[...], 1, 2)


_xt = pl.pallas_call(
    _xt_body,
    grid=(BN * Q // TB,),
    in_specs=[pl.BlockSpec((TB, P, R), lambda i: (i, 0, 0))],
    out_specs=pl.BlockSpec((TB, P, R), lambda i: (i, 0, 0)),
    out_shape=jax.ShapeDtypeStruct((BN * Q, P, R), jnp.float32),
)


def kernel(input, target, idx_expanded):
    xt = _xt(input.reshape(BN * Q, P, R)).reshape(BN, Q, P, R)
    tgt = target.reshape(BN, P, Q, R)
    idx = idx_expanded.reshape(BN, P, Q, R)
    partial = _pjc_sc(xt, tgt, idx)
    return jnp.sum(partial)

# --- scband reference (transcript-rebuilt; emitter-appended) ---
"""Pipeline reference for scband-pjcloss-79877801771542 (READ-ONLY COPY).

The authoritative reference and input builder live on the scoring server;
editing this copy changes nothing except your own understanding.
"""

import jax, jax.numpy as jnp
import numpy as np


def setup_inputs(seed: int = 0) -> dict:
    key = jax.random.key(seed)
    k1, k2, k3 = jax.random.split(key, 3)
    b, n, d, h, w, s = 4, 8, 64, 64, 64, 64
    inp = jax.random.normal(k1, (b, n, 1, d, h, w), dtype=jnp.float32)
    target = jax.random.normal(k2, (b, n, s, d, h), dtype=jnp.float32)
    idx_expanded = jax.random.randint(k3, (b, n, s, d, h), 0, w, dtype=jnp.int32)
    return {"input": inp, "target": target, "idx_expanded": idx_expanded}


def reference(input, target, idx_expanded):
    # input: (b, n, 1, d, h, w) with h == w; target/idx: (b, n, s, d, h) with s == h
    b, n, c, d, w, h = input.shape
    assert c == 1
    x = jnp.squeeze(input, 2)                 # (b, n, d, w, h)
    x = jnp.transpose(x, (0, 1, 4, 2, 3))     # (b, n, h, d, w)
    selected_slices = jnp.take_along_axis(x, idx_expanded, axis=-1)  # (b, n, s, d, h)
    return jnp.mean((selected_slices - target) ** 2)

if __name__ == "__main__":
    import jax
    _d = setup_inputs()
    print(jax.jit(kernel)(*tuple(_d.values())))

</pallas_src>

<mosaic_0001>
#map = affine_map<(d0, d1) -> (0, 0, 0, 0)>
#map1 = affine_map<(d0, d1) -> (0, 0)>
module attributes {stable_mosaic.version = 14 : i64} {
  func.func @_pjc_sc(%arg0: i32, %arg1: i32, %arg2: memref<32x64x64x64xf32, #tpu.memory_space<hbm>>, %arg3: memref<32x64x64x64xf32, #tpu.memory_space<hbm>>, %arg4: memref<32x64x64x64xi32, #tpu.memory_space<hbm>>, %arg5: memref<32x16xf32, #tpu.memory_space<hbm>>, %arg6: memref<64x64xf32, #tpu.memory_space<vmem>>, %arg7: memref<64x64xf32, #tpu.memory_space<vmem>>, %arg8: memref<64x64xf32, #tpu.memory_space<vmem>>, %arg9: memref<64x64xf32, #tpu.memory_space<vmem>>, %arg10: memref<64x64xi32, #tpu.memory_space<vmem>>, %arg11: memref<64x64xi32, #tpu.memory_space<vmem>>, %arg12: memref<64x64xi32, #tpu.memory_space<vmem>>, %arg13: memref<64x64xi32, #tpu.memory_space<vmem>>, %arg14: memref<64x64xf32, #tpu.memory_space<vmem>>, %arg15: memref<64x64xf32, #tpu.memory_space<vmem>>, %arg16: memref<64x64xf32, #tpu.memory_space<vmem>>, %arg17: memref<64x64xf32, #tpu.memory_space<vmem>>, %arg18: memref<16xf32, #tpu.memory_space<vmem>>, %arg19: memref<!tpu.dma_semaphore, #tpu.memory_space<semaphore_mem>>, %arg20: memref<!tpu.dma_semaphore, #tpu.memory_space<semaphore_mem>>, %arg21: memref<!tpu.dma_semaphore, #tpu.memory_space<semaphore_mem>>, %arg22: memref<!tpu.dma_semaphore, #tpu.memory_space<semaphore_mem>>) attributes {dimension_semantics = [#tpu.dimension_semantics<core_parallel>, #tpu.dimension_semantics<subcore_parallel>], iteration_bounds = array<i64: 2, 16>, scalar_prefetch = 0 : i64, scratch_operands = 17 : i64, tpu.core_type = #tpu.core_type<sc_vector_subcore>, window_params = [{transform_indices = #map}, {transform_indices = #map}, {transform_indices = #map}, {transform_indices = #map1}]} {
    %mul3A = arith.constant 2 : i32
    %mul3A_0 = arith.muli %arg1, %mul3A : i32
    %add3A = arith.addi %mul3A_0, %arg0 : i32
    %dma_start3A = arith.constant 0 : i32
    %dma_start3A_1 = arith.constant 0 : i32
    %dma_start3A_2 = arith.constant 0 : i32
    %dma_start3A_3 = tpu.memref_slice %arg2[%add3A, %dma_start3A, %dma_start3A_1, %dma_start3A_2] : memref<32x64x64x64xf32, #tpu.memory_space<hbm>> -> memref<1x1x64x64xf32, #tpu.memory_space<hbm>>
    %dma_start3A_4 = tpu.memref_squeeze %dma_start3A_3 : memref<1x1x64x64xf32, #tpu.memory_space<hbm>> -> memref<64x64xf32, #tpu.memory_space<hbm>>
    %dma_start3A_5 = arith.constant 0 : i32
    %dma_start3A_6 = arith.constant 0 : i32
    %dma_start3A_7 = tpu.memref_slice %arg2[%add3A, %dma_start3A, %dma_start3A_5, %dma_start3A_6] : memref<32x64x64x64xf32, #tpu.memory_space<hbm>> -> memref<1x1x64x64xf32, #tpu.memory_space<hbm>>
    %dma_start3A_8 = tpu.memref_squeeze %dma_start3A_7 : memref<1x1x64x64xf32, #tpu.memory_space<hbm>> -> memref<64x64xf32, #tpu.memory_space<hbm>>
    tpu.enqueue_dma source(%dma_start3A_8 : memref<64x64xf32, #tpu.memory_space<hbm>>) target(%arg6 : memref<64x64xf32, #tpu.memory_space<vmem>>) target_semaphore(%arg19 : memref<!tpu.dma_semaphore, #tpu.memory_space<semaphore_mem>>)
    %dma_start3A_9 = arith.constant 0 : i32
    %dma_start3A_10 = arith.constant 0 : i32
    %dma_start3A_11 = arith.constant 0 : i32
    %dma_start3A_12 = tpu.memref_slice %arg4[%add3A, %dma_start3A_10, %dma_start3A_9, %dma_start3A_11] : memref<32x64x64x64xi32, #tpu.memory_space<hbm>> -> memref<1x64x1x64xi32, #tpu.memory_space<hbm>>
    %dma_start3A_13 = tpu.memref_squeeze %dma_start3A_12 : memref<1x64x1x64xi32, #tpu.memory_space<hbm>> -> memref<64x64xi32, #tpu.memory_space<hbm>>
    %dma_start3A_14 = arith.constant 0 : i32
    %dma_start3A_15 = arith.constant 0 : i32
    %dma_start3A_16 = tpu.memref_slice %arg4[%add3A, %dma_start3A_14, %dma_start3A_9, %dma_start3A_15] : memref<32x64x64x64xi32, #tpu.memory_space<hbm>> -> memref<1x64x1x64xi32, #tpu.memory_space<hbm>>
    %dma_start3A_17 = tpu.memref_squeeze %dma_start3A_16 : memref<1x64x1x64xi32, #tpu.memory_space<hbm>> -> memref<64x64xi32, #tpu.memory_space<hbm>>
    tpu.enqueue_dma source(%dma_start3A_17 : memref<64x64xi32, #tpu.memory_space<hbm>>) target(%arg10 : memref<64x64xi32, #tpu.memory_space<vmem>>) target_semaphore(%arg19 : memref<!tpu.dma_semaphore, #tpu.memory_space<semaphore_mem>>)
    %dma_start3A_18 = arith.constant 0 : i32
    %dma_start3A_19 = arith.constant 0 : i32
    %dma_start3A_20 = arith.constant 0 : i32
    %dma_start3A_21 = tpu.memref_slice %arg3[%add3A, %dma_start3A_19, %dma_start3A_18, %dma_start3A_20] : memref<32x64x64x64xf32, #tpu.memory_space<hbm>> -> memref<1x64x1x64xf32, #tpu.memory_space<hbm>>
    %dma_start3A_22 = tpu.memref_squeeze %dma_start3A_21 : memref<1x64x1x64xf32, #tpu.memory_space<hbm>> -> memref<64x64xf32, #tpu.memory_space<hbm>>
    %dma_start3A_23 = arith.constant 0 : i32
    %dma_start3A_24 = arith.constant 0 : i32
    %dma_start3A_25 = tpu.memref_slice %arg3[%add3A, %dma_start3A_23, %dma_start3A_18, %dma_start3A_24] : memref<32x64x64x64xf32, #tpu.memory_space<hbm>> -> memref<1x64x1x64xf32, #tpu.memory_space<hbm>>
    %dma_start3A_26 = tpu.memref_squeeze %dma_start3A_25 : memref<1x64x1x64xf32, #tpu.memory_space<hbm>> -> memref<64x64xf32, #tpu.memory_space<hbm>>
    tpu.enqueue_dma source(%dma_start3A_26 : memref<64x64xf32, #tpu.memory_space<hbm>>) target(%arg14 : memref<64x64xf32, #tpu.memory_space<vmem>>) target_semaphore(%arg19 : memref<!tpu.dma_semaphore, #tpu.memory_space<semaphore_mem>>)
    %dma_start3A_27 = arith.constant 1 : i32
    %dma_start3A_28 = arith.constant 0 : i32
    %dma_start3A_29 = arith.constant 0 : i32
    %dma_start3A_30 = tpu.memref_slice %arg2[%add3A, %dma_start3A_27, %dma_start3A_28, %dma_start3A_29] : memref<32x64x64x64xf32, #tpu.memory_space<hbm>> -> memref<1x1x64x64xf32, #tpu.memory_space<hbm>>
    %dma_start3A_31 = tpu.memref_squeeze %dma_start3A_30 : memref<1x1x64x64xf32, #tpu.memory_space<hbm>> -> memref<64x64xf32, #tpu.memory_space<hbm>>
    %dma_start3A_32 = arith.constant 0 : i32
    %dma_start3A_33 = arith.constant 0 : i32
    %dma_start3A_34 = tpu.memref_slice %arg2[%add3A, %dma_start3A_27, %dma_start3A_32, %dma_start3A_33] : memref<32x64x64x64xf32, #tpu.memory_space<hbm>> -> memref<1x1x64x64xf32, #tpu.memory_space<hbm>>
    %dma_start3A_35 = tpu.memref_squeeze %dma_start3A_34 : memref<1x1x64x64xf32, #tpu.memory_space<hbm>> -> memref<64x64xf32, #tpu.memory_space<hbm>>
    tpu.enqueue_dma source(%dma_start3A_35 : memref<64x64xf32, #tpu.memory_space<hbm>>) target(%arg7 : memref<64x64xf32, #tpu.memory_space<vmem>>) target_semaphore(%arg20 : memref<!tpu.dma_semaphore, #tpu.memory_space<semaphore_mem>>)
    %dma_start3A_36 = arith.constant 1 : i32
    %dma_start3A_37 = arith.constant 0 : i32
    %dma_start3A_38 = arith.constant 0 : i32
    %dma_start3A_39 = tpu.memref_slice %arg4[%add3A, %dma_start3A_37, %dma_start3A_36, %dma_start3A_38] : memref<32x64x64x64xi32, #tpu.memory_space<hbm>> -> memref<1x64x1x64xi32, #tpu.memory_space<hbm>>
    %dma_start3A_40 = tpu.memref_squeeze %dma_start3A_39 : memref<1x64x1x64xi32, #tpu.memory_space<hbm>> -> memref<64x64xi32, #tpu.memory_space<hbm>>
    %dma_start3A_41 = arith.constant 0 : i32
    %dma_start3A_42 = arith.constant 0 : i32
    %dma_start3A_43 = tpu.memref_slice %arg4[%add3A, %dma_start3A_41, %dma_start3A_36, %dma_start3A_42] : memref<32x64x64x64xi32, #tpu.memory_space<hbm>> -> memref<1x64x1x64xi32, #tpu.memory_space<hbm>>
    %dma_start3A_44 = tpu.memref_squeeze %dma_start3A_43 : memref<1x64x1x64xi32, #tpu.memory_space<hbm>> -> memref<64x64xi32, #tpu.memory_space<hbm>>
    tpu.enqueue_dma source(%dma_start3A_44 : memref<64x64xi32, #tpu.memory_space<hbm>>) target(%arg11 : memref<64x64xi32, #tpu.memory_space<vmem>>) target_semaphore(%arg20 : memref<!tpu.dma_semaphore, #tpu.memory_space<semaphore_mem>>)
    %dma_start3A_45 = arith.constant 1 : i32
    %dma_start3A_46 = arith.constant 0 : i32
    %dma_start3A_47 = arith.constant 0 : i32
    %dma_start3A_48 = tpu.memref_slice %arg3[%add3A, %dma_start3A_46, %dma_start3A_45, %dma_start3A_47] : memref<32x64x64x64xf32, #tpu.memory_space<hbm>> -> memref<1x64x1x64xf32, #tpu.memory_space<hbm>>
    %dma_start3A_49 = tpu.memref_squeeze %dma_start3A_48 : memref<1x64x1x64xf32, #tpu.memory_space<hbm>> -> memref<64x64xf32, #tpu.memory_space<hbm>>
    %dma_start3A_50 = arith.constant 0 : i32
    %dma_start3A_51 = arith.constant 0 : i32
    %dma_start3A_52 = tpu.memref_slice %arg3[%add3A, %dma_start3A_50, %dma_start3A_45, %dma_start3A_51] : memref<32x64x64x64xf32, #tpu.memory_space<hbm>> -> memref<1x64x1x64xf32, #tpu.memory_space<hbm>>
    %dma_start3A_53 = tpu.memref_squeeze %dma_start3A_52 : memref<1x64x1x64xf32, #tpu.memory_space<hbm>> -> memref<64x64xf32, #tpu.memory_space<hbm>>
    tpu.enqueue_dma source(%dma_start3A_53 : memref<64x64xf32, #tpu.memory_space<hbm>>) target(%arg15 : memref<64x64xf32, #tpu.memory_space<vmem>>) target_semaphore(%arg20 : memref<!tpu.dma_semaphore, #tpu.memory_space<semaphore_mem>>)
    %dma_start3A_54 = arith.constant 2 : i32
    %dma_start3A_55 = arith.constant 0 : i32
    %dma_start3A_56 = arith.constant 0 : i32
    %dma_start3A_57 = tpu.memref_slice %arg2[%add3A, %dma_start3A_54, %dma_start3A_55, %dma_start3A_56] : memref<32x64x64x64xf32, #tpu.memory_space<hbm>> -> memref<1x1x64x64xf32, #tpu.memory_space<hbm>>
    %dma_start3A_58 = tpu.memref_squeeze %dma_start3A_57 : memref<1x1x64x64xf32, #tpu.memory_space<hbm>> -> memref<64x64xf32, #tpu.memory_space<hbm>>
    %dma_start3A_59 = arith.constant 0 : i32
    %dma_start3A_60 = arith.constant 0 : i32
    %dma_start3A_61 = tpu.memref_slice %arg2[%add3A, %dma_start3A_54, %dma_start3A_59, %dma_start3A_60] : memref<32x64x64x64xf32, #tpu.memory_space<hbm>> -> memref<1x1x64x64xf32, #tpu.memory_space<hbm>>
    %dma_start3A_62 = tpu.memref_squeeze %dma_start3A_61 : memref<1x1x64x64xf32, #tpu.memory_space<hbm>> -> memref<64x64xf32, #tpu.memory_space<hbm>>
    tpu.enqueue_dma source(%dma_start3A_62 : memref<64x64xf32, #tpu.memory_space<hbm>>) target(%arg8 : memref<64x64xf32, #tpu.memory_space<vmem>>) target_semaphore(%arg21 : memref<!tpu.dma_semaphore, #tpu.memory_space<semaphore_mem>>)
    %dma_start3A_63 = arith.constant 2 : i32
    %dma_start3A_64 = arith.constant 0 : i32
    %dma_start3A_65 = arith.constant 0 : i32
    %dma_start3A_66 = tpu.memref_slice %arg4[%add3A, %dma_start3A_64, %dma_start3A_63, %dma_start3A_65] : memref<32x64x64x64xi32, #tpu.memory_space<hbm>> -> memref<1x64x1x64xi32, #tpu.memory_space<hbm>>
    %dma_start3A_67 = tpu.memref_squeeze %dma_start3A_66 : memref<1x64x1x64xi32, #tpu.memory_space<hbm>> -> memref<64x64xi32, #tpu.memory_space<hbm>>
    %dma_start3A_68 = arith.constant 0 : i32
    %dma_start3A_69 = arith.constant 0 : i32
    %dma_start3A_70 = tpu.memref_slice %arg4[%add3A, %dma_start3A_68, %dma_start3A_63, %dma_start3A_69] : memref<32x64x64x64xi32, #tpu.memory_space<hbm>> -> memref<1x64x1x64xi32, #tpu.memory_space<hbm>>
    %dma_start3A_71 = tpu.memref_squeeze %dma_start3A_70 : memref<1x64x1x64xi32, #tpu.memory_space<hbm>> -> memref<64x64xi32, #tpu.memory_space<hbm>>
    tpu.enqueue_dma source(%dma_start3A_71 : memref<64x64xi32, #tpu.memory_space<hbm>>) target(%arg12 : memref<64x64xi32, #tpu.memory_space<vmem>>) target_semaphore(%arg21 : memref<!tpu.dma_semaphore, #tpu.memory_space<semaphore_mem>>)
    %dma_start3A_72 = arith.constant 2 : i32
    %dma_start3A_73 = arith.constant 0 : i32
    %dma_start3A_74 = arith.constant 0 : i32
    %dma_start3A_75 = tpu.memref_slice %arg3[%add3A, %dma_start3A_73, %dma_start3A_72, %dma_start3A_74] : memref<32x64x64x64xf32, #tpu.memory_space<hbm>> -> memref<1x64x1x64xf32, #tpu.memory_space<hbm>>
    %dma_start3A_76 = tpu.memref_squeeze %dma_start3A_75 : memref<1x64x1x64xf32, #tpu.memory_space<hbm>> -> memref<64x64xf32, #tpu.memory_space<hbm>>
    %dma_start3A_77 = arith.constant 0 : i32
    %dma_start3A_78 = arith.constant 0 : i32
    %dma_start3A_79 = tpu.memref_slice %arg3[%add3A, %dma_start3A_77, %dma_start3A_72, %dma_start3A_78] : memref<32x64x64x64xf32, #tpu.memory_space<hbm>> -> memref<1x64x1x64xf32, #tpu.memory_space<hbm>>
    %dma_start3A_80 = tpu.memref_squeeze %dma_start3A_79 : memref<1x64x1x64xf32, #tpu.memory_space<hbm>> -> memref<64x64xf32, #tpu.memory_space<hbm>>
    tpu.enqueue_dma source(%dma_start3A_80 : memref<64x64xf32, #tpu.memory_space<hbm>>) target(%arg16 : memref<64x64xf32, #tpu.memory_space<vmem>>) target_semaphore(%arg21 : memref<!tpu.dma_semaphore, #tpu.memory_space<semaphore_mem>>)
    %dma_start3A_81 = arith.constant 3 : i32
    %dma_start3A_82 = arith.constant 0 : i32
    %dma_start3A_83 = arith.constant 0 : i32
    %dma_start3A_84 = tpu.memref_slice %arg2[%add3A, %dma_start3A_81, %dma_start3A_82, %dma_start3A_83] : memref<32x64x64x64xf32, #tpu.memory_space<hbm>> -> memref<1x1x64x64xf32, #tpu.memory_space<hbm>>
    %dma_start3A_85 = tpu.memref_squeeze %dma_start3A_84 : memref<1x1x64x64xf32, #tpu.memory_space<hbm>> -> memref<64x64xf32, #tpu.memory_space<hbm>>
    %dma_start3A_86 = arith.constant 0 : i32
    %dma_start3A_87 = arith.constant 0 : i32
    %dma_start3A_88 = tpu.memref_slice %arg2[%add3A, %dma_start3A_81, %dma_start3A_86, %dma_start3A_87] : memref<32x64x64x64xf32, #tpu.memory_space<hbm>> -> memref<1x1x64x64xf32, #tpu.memory_space<hbm>>
    %dma_start3A_89 = tpu.memref_squeeze %dma_start3A_88 : memref<1x1x64x64xf32, #tpu.memory_space<hbm>> -> memref<64x64xf32, #tpu.memory_space<hbm>>
    tpu.enqueue_dma source(%dma_start3A_89 : memref<64x64xf32, #tpu.memory_space<hbm>>) target(%arg9 : memref<64x64xf32, #tpu.memory_space<vmem>>) target_semaphore(%arg22 : memref<!tpu.dma_semaphore, #tpu.memory_space<semaphore_mem>>)
    %dma_start3A_90 = arith.constant 3 : i32
    %dma_start3A_91 = arith.constant 0 : i32
    %dma_start3A_92 = arith.constant 0 : i32
    %dma_start3A_93 = tpu.memref_slice %arg4[%add3A, %dma_start3A_91, %dma_start3A_90, %dma_start3A_92] : memref<32x64x64x64xi32, #tpu.memory_space<hbm>> -> memref<1x64x1x64xi32, #tpu.memory_space<hbm>>
    %dma_start3A_94 = tpu.memref_squeeze %dma_start3A_93 : memref<1x64x1x64xi32, #tpu.memory_space<hbm>> -> memref<64x64xi32, #tpu.memory_space<hbm>>
    %dma_start3A_95 = arith.constant 0 : i32
    %dma_start3A_96 = arith.constant 0 : i32
    %dma_start3A_97 = tpu.memref_slice %arg4[%add3A, %dma_start3A_95, %dma_start3A_90, %dma_start3A_96] : memref<32x64x64x64xi32, #tpu.memory_space<hbm>> -> memref<1x64x1x64xi32, #tpu.memory_space<hbm>>
    %dma_start3A_98 = tpu.memref_squeeze %dma_start3A_97 : memref<1x64x1x64xi32, #tpu.memory_space<hbm>> -> memref<64x64xi32, #tpu.memory_space<hbm>>
    tpu.enqueue_dma source(%dma_start3A_98 : memref<64x64xi32, #tpu.memory_space<hbm>>) target(%arg13 : memref<64x64xi32, #tpu.memory_space<vmem>>) target_semaphore(%arg22 : memref<!tpu.dma_semaphore, #tpu.memory_space<semaphore_mem>>)
    %dma_start3A_99 = arith.constant 3 : i32
    %dma_start3A_100 = arith.constant 0 : i32
    %dma_start3A_101 = arith.constant 0 : i32
    %dma_start3A_102 = tpu.memref_slice %arg3[%add3A, %dma_start3A_100, %dma_start3A_99, %dma_start3A_101] : memref<32x64x64x64xf32, #tpu.memory_space<hbm>> -> memref<1x64x1x64xf32, #tpu.memory_space<hbm>>
    %dma_start3A_103 = tpu.memref_squeeze %dma_start3A_102 : memref<1x64x1x64xf32, #tpu.memory_space<hbm>> -> memref<64x64xf32, #tpu.memory_space<hbm>>
    %dma_start3A_104 = arith.constant 0 : i32
    %dma_start3A_105 = arith.constant 0 : i32
    %dma_start3A_106 = tpu.memref_slice %arg3[%add3A, %dma_start3A_104, %dma_start3A_99, %dma_start3A_105] : memref<32x64x64x64xf32, #tpu.memory_space<hbm>> -> memref<1x64x1x64xf32, #tpu.memory_space<hbm>>
    %dma_start3A_107 = tpu.memref_squeeze %dma_start3A_106 : memref<1x64x1x64xf32, #tpu.memory_space<hbm>> -> memref<64x64xf32, #tpu.memory_space<hbm>>
    tpu.enqueue_dma source(%dma_start3A_107 : memref<64x64xf32, #tpu.memory_space<hbm>>) target(%arg17 : memref<64x64xf32, #tpu.memory_space<vmem>>) target_semaphore(%arg22 : memref<!tpu.dma_semaphore, #tpu.memory_space<semaphore_mem>>)
    %broadcast_in_dim3A = arith.constant 0.000000e+00 : f32
    %broadcast_in_dim3A_108 = vector.broadcast %broadcast_in_dim3A : f32 to vector<16xf32>
    %scan3A = arith.constant 0 : i32
    %scan3A_109 = arith.constant 16 : i32
    %scan3A_110 = arith.addi %scan3A, %scan3A_109 : i32
    %scan3A_111 = arith.constant 1 : i32
    %scan3A_112:4 = scf.for %scan3A_121 = %scan3A to %scan3A_110 step %scan3A_111 iter_args(%scan3A_122 = %broadcast_in_dim3A_108, %scan3A_123 = %broadcast_in_dim3A_108, %scan3A_124 = %broadcast_in_dim3A_108, %scan3A_125 = %broadcast_in_dim3A_108) -> (vector<16xf32>, vector<16xf32>, vector<16xf32>, vector<16xf32>)  : i32 {
      %mul3A_126 = arith.constant 4 : i32
      %mul3A_127 = arith.muli %scan3A_121, %mul3A_126 : i32
      %add3A_128 = arith.constant 0 : i32
      %add3A_129 = arith.addi %mul3A_127, %add3A_128 : i32
      %dma_wait3A = arith.constant 0 : i32
      %dma_wait3A_130 = arith.constant 0 : i32
      %dma_wait3A_131 = tpu.memref_slice %arg2[%add3A, %add3A_129, %dma_wait3A, %dma_wait3A_130] : memref<32x64x64x64xf32, #tpu.memory_space<hbm>> -> memref<1x1x64x64xf32, #tpu.memory_space<hbm>>
      %dma_wait3A_132 = tpu.memref_squeeze %dma_wait3A_131 : memref<1x1x64x64xf32, #tpu.memory_space<hbm>> -> memref<64x64xf32, #tpu.memory_space<hbm>>
      %dma_wait3A_133 = arith.constant 0 : i32
      %dma_wait3A_134 = arith.constant 0 : i32
      %dma_wait3A_135 = tpu.memref_slice %arg2[%add3A, %add3A_129, %dma_wait3A_133, %dma_wait3A_134] : memref<32x64x64x64xf32, #tpu.memory_space<hbm>> -> memref<1x1x64x64xf32, #tpu.memory_space<hbm>>
      %dma_wait3A_136 = tpu.memref_squeeze %dma_wait3A_135 : memref<1x1x64x64xf32, #tpu.memory_space<hbm>> -> memref<64x64xf32, #tpu.memory_space<hbm>>
      tpu.wait_dma2 semaphore(%arg19 : memref<!tpu.dma_semaphore, #tpu.memory_space<semaphore_mem>>) src(%dma_wait3A_136 : memref<64x64xf32, #tpu.memory_space<hbm>>) dst(%arg6 : memref<64x64xf32, #tpu.memory_space<vmem>>)
      %dma_wait3A_137 = arith.constant 0 : i32
      %dma_wait3A_138 = arith.constant 0 : i32
      %dma_wait3A_139 = tpu.memref_slice %arg4[%add3A, %dma_wait3A_137, %add3A_129, %dma_wait3A_138] : memref<32x64x64x64xi32, #tpu.memory_space<hbm>> -> memref<1x64x1x64xi32, #tpu.memory_space<hbm>>
      %dma_wait3A_140 = tpu.memref_squeeze %dma_wait3A_139 : memref<1x64x1x64xi32, #tpu.memory_space<hbm>> -> memref<64x64xi32, #tpu.memory_space<hbm>>
      %dma_wait3A_141 = arith.constant 0 : i32
      %dma_wait3A_142 = arith.constant 0 : i32
      %dma_wait3A_143 = tpu.memref_slice %arg4[%add3A, %dma_wait3A_141, %add3A_129, %dma_wait3A_142] : memref<32x64x64x64xi32, #tpu.memory_space<hbm>> -> memref<1x64x1x64xi32, #tpu.memory_space<hbm>>
      %dma_wait3A_144 = tpu.memref_squeeze %dma_wait3A_143 : memref<1x64x1x64xi32, #tpu.memory_space<hbm>> -> memref<64x64xi32, #tpu.memory_space<hbm>>
      tpu.wait_dma2 semaphore(%arg19 : memref<!tpu.dma_semaphore, #tpu.memory_space<semaphore_mem>>) src(%dma_wait3A_144 : memref<64x64xi32, #tpu.memory_space<hbm>>) dst(%arg10 : memref<64x64xi32, #tpu.memory_space<vmem>>)
      %dma_wait3A_145 = arith.constant 0 : i32
      %dma_wait3A_146 = arith.constant 0 : i32
      %dma_wait3A_147 = tpu.memref_slice %arg3[%add3A, %dma_wait3A_145, %add3A_129, %dma_wait3A_146] : memref<32x64x64x64xf32, #tpu.memory_space<hbm>> -> memref<1x64x1x64xf32, #tpu.memory_space<hbm>>
      %dma_wait3A_148 = tpu.memref_squeeze %dma_wait3A_147 : memref<1x64x1x64xf32, #tpu.memory_space<hbm>> -> memref<64x64xf32, #tpu.memory_space<hbm>>
      %dma_wait3A_149 = arith.constant 0 : i32
      %dma_wait3A_150 = arith.constant 0 : i32
      %dma_wait3A_151 = tpu.memref_slice %arg3[%add3A, %dma_wait3A_149, %add3A_129, %dma_wait3A_150] : memref<32x64x64x64xf32, #tpu.memory_space<hbm>> -> memref<1x64x1x64xf32, #tpu.memory_space<hbm>>
      %dma_wait3A_152 = tpu.memref_squeeze %dma_wait3A_151 : memref<1x64x1x64xf32, #tpu.memory_space<hbm>> -> memref<64x64xf32, #tpu.memory_space<hbm>>
      tpu.wait_dma2 semaphore(%arg19 : memref<!tpu.dma_semaphore, #tpu.memory_space<semaphore_mem>>) src(%dma_wait3A_152 : memref<64x64xf32, #tpu.memory_space<hbm>>) dst(%arg14 : memref<64x64xf32, #tpu.memory_space<vmem>>)
      %parallel_loop3A = arith.constant 0 : i32
      %parallel_loop3A_153 = arith.constant 64 : i32
      %parallel_loop3A_154 = arith.constant 1 : i32
      %parallel_loop3A_155:4 = scf.for %parallel_loop3A_271 = %parallel_loop3A to %parallel_loop3A_153 step %parallel_loop3A_154 iter_args(%parallel_loop3A_272 = %scan3A_122, %parallel_loop3A_273 = %scan3A_123, %parallel_loop3A_274 = %scan3A_124, %parallel_loop3A_275 = %scan3A_125) -> (vector<16xf32>, vector<16xf32>, vector<16xf32>, vector<16xf32>)  : i32 {
        %parallel_loop3A_276 = arith.constant 0 : i32
        %parallel_loop3A_277 = vector.broadcast %parallel_loop3A_276 : i32 to vector<16xi32>
        %parallel_loop3A_278 = vector.broadcast %parallel_loop3A_271 : i32 to vector<16xi32>
        %parallel_loop3A_279 = arith.addi %parallel_loop3A_277, %parallel_loop3A_278 : vector<16xi32>
        %parallel_loop3A_280 = arith.index_cast %parallel_loop3A_271 : i32 to index
        %parallel_loop3A_281 = arith.constant 0 : index
        %parallel_loop3A_282 = tpu.vector_load %arg10[%parallel_loop3A_280, %parallel_loop3A_281] {strides = array<i32>} : memref<64x64xi32, #tpu.memory_space<vmem>>, vector<16xi32>,
        %parallel_loop3A_283 = tpu.vector_load_idx %arg6[%parallel_loop3A_279, %parallel_loop3A_282] : memref<64x64xf32, #tpu.memory_space<vmem>>[vector<16xi32>, vector<16xi32>], vector<16xf32>,
        %parallel_loop3A_284 = arith.index_cast %parallel_loop3A_271 : i32 to index
        %parallel_loop3A_285 = arith.constant 0 : index
        %parallel_loop3A_286 = tpu.vector_load %arg14[%parallel_loop3A_284, %parallel_loop3A_285] {strides = array<i32>} : memref<64x64xf32, #tpu.memory_space<vmem>>, vector<16xf32>,
        %parallel_loop3A_287 = arith.subf %parallel_loop3A_283, %parallel_loop3A_286 : vector<16xf32>
        %parallel_loop3A_288 = arith.mulf %parallel_loop3A_287, %parallel_loop3A_287 : vector<16xf32>
        %parallel_loop3A_289 = arith.addf %parallel_loop3A_272, %parallel_loop3A_288 : vector<16xf32>
        %parallel_loop3A_290 = arith.index_cast %parallel_loop3A_271 : i32 to index
        %parallel_loop3A_291 = arith.constant 16 : index
        %parallel_loop3A_292 = tpu.vector_load %arg10[%parallel_loop3A_290, %parallel_loop3A_291] {strides = array<i32>} : memref<64x64xi32, #tpu.memory_space<vmem>>, vector<16xi32>,
        %parallel_loop3A_293 = tpu.vector_load_idx %arg6[%parallel_loop3A_279, %parallel_loop3A_292] : memref<64x64xf32, #tpu.memory_space<vmem>>[vector<16xi32>, vector<16xi32>], vector<16xf32>,
        %parallel_loop3A_294 = arith.index_cast %parallel_loop3A_271 : i32 to index
        %parallel_loop3A_295 = arith.constant 16 : index
        %parallel_loop3A_296 = tpu.vector_load %arg14[%parallel_loop3A_294, %parallel_loop3A_295] {strides = array<i32>} : memref<64x64xf32, #tpu.memory_space<vmem>>, vector<16xf32>,
        %parallel_loop3A_297 = arith.subf %parallel_loop3A_293, %parallel_loop3A_296 : vector<16xf32>
        %parallel_loop3A_298 = arith.mulf %parallel_loop3A_297, %parallel_loop3A_297 : vector<16xf32>
        %parallel_loop3A_299 = arith.addf %parallel_loop3A_273, %parallel_loop3A_298 : vector<16xf32>
        %parallel_loop3A_300 = arith.index_cast %parallel_loop3A_271 : i32 to index
        %parallel_loop3A_301 = arith.constant 32 : index
        %parallel_loop3A_302 = tpu.vector_load %arg10[%parallel_loop3A_300, %parallel_loop3A_301] {strides = array<i32>} : memref<64x64xi32, #tpu.memory_space<vmem>>, vector<16xi32>,
        %parallel_loop3A_303 = tpu.vector_load_idx %arg6[%parallel_loop3A_279, %parallel_loop3A_302] : memref<64x64xf32, #tpu.memory_space<vmem>>[vector<16xi32>, vector<16xi32>], vector<16xf32>,
        %parallel_loop3A_304 = arith.index_cast %parallel_loop3A_271 : i32 to index
        %parallel_loop3A_305 = arith.constant 32 : index
        %parallel_loop3A_306 = tpu.vector_load %arg14[%parallel_loop3A_304, %parallel_loop3A_305] {strides = array<i32>} : memref<64x64xf32, #tpu.memory_space<vmem>>, vector<16xf32>,
        %parallel_loop3A_307 = arith.subf %parallel_loop3A_303, %parallel_loop3A_306 : vector<16xf32>
        %parallel_loop3A_308 = arith.mulf %parallel_loop3A_307, %parallel_loop3A_307 : vector<16xf32>
        %parallel_loop3A_309 = arith.addf %parallel_loop3A_274, %parallel_loop3A_308 : vector<16xf32>
        %parallel_loop3A_310 = arith.index_cast %parallel_loop3A_271 : i32 to index
        %parallel_loop3A_311 = arith.constant 48 : index
        %parallel_loop3A_312 = tpu.vector_load %arg10[%parallel_loop3A_310, %parallel_loop3A_311] {strides = array<i32>} : memref<64x64xi32, #tpu.memory_space<vmem>>, vector<16xi32>,
        %parallel_loop3A_313 = tpu.vector_load_idx %arg6[%parallel_loop3A_279, %parallel_loop3A_312] : memref<64x64xf32, #tpu.memory_space<vmem>>[vector<16xi32>, vector<16xi32>], vector<16xf32>,
        %parallel_loop3A_314 = arith.index_cast %parallel_loop3A_271 : i32 to index
        %parallel_loop3A_315 = arith.constant 48 : index
        %parallel_loop3A_316 = tpu.vector_load %arg14[%parallel_loop3A_314, %parallel_loop3A_315] {strides = array<i32>} : memref<64x64xf32, #tpu.memory_space<vmem>>, vector<16xf32>,
        %parallel_loop3A_317 = arith.subf %parallel_loop3A_313, %parallel_loop3A_316 : vector<16xf32>
        %parallel_loop3A_318 = arith.mulf %parallel_loop3A_317, %parallel_loop3A_317 : vector<16xf32>
        %parallel_loop3A_319 = arith.addf %parallel_loop3A_275, %parallel_loop3A_318 : vector<16xf32>
        scf.yield %parallel_loop3A_289, %parallel_loop3A_299, %parallel_loop3A_309, %parallel_loop3A_319 : vector<16xf32>, vector<16xf32>, vector<16xf32>, vector<16xf32>
      } {sc.loop_unroll_factor = 4 : i64, sc.parallel_access}
      %add3A_156 = arith.constant 4 : i32
      %add3A_157 = arith.addi %add3A_129, %add3A_156 : i32
      %lt3A = arith.constant 64 : i32
      %lt3A_158 = arith.cmpi slt, %add3A_157, %lt3A : i32
      %convert_element_type3A = arith.extui %lt3A_158 : i1 to i32
      %cond3A = arith.constant 0 : i32
      %cond3A_159 = arith.cmpi ne, %convert_element_type3A, %cond3A : i32
      scf.if %cond3A_159 {
        %add3A_271 = arith.constant 4 : i32
        %add3A_272 = arith.addi %add3A_129, %add3A_271 : i32
        %dma_start3A_273 = arith.constant 0 : i32
        %dma_start3A_274 = arith.constant 0 : i32
        %dma_start3A_275 = tpu.memref_slice %arg2[%add3A, %add3A_272, %dma_start3A_273, %dma_start3A_274] : memref<32x64x64x64xf32, #tpu.memory_space<hbm>> -> memref<1x1x64x64xf32, #tpu.memory_space<hbm>>
        %dma_start3A_276 = tpu.memref_squeeze %dma_start3A_275 : memref<1x1x64x64xf32, #tpu.memory_space<hbm>> -> memref<64x64xf32, #tpu.memory_space<hbm>>
        %dma_start3A_277 = arith.constant 0 : i32
        %dma_start3A_278 = arith.constant 0 : i32
        %dma_start3A_279 = tpu.memref_slice %arg2[%add3A, %add3A_272, %dma_start3A_277, %dma_start3A_278] : memref<32x64x64x64xf32, #tpu.memory_space<hbm>> -> memref<1x1x64x64xf32, #tpu.memory_space<hbm>>
        %dma_start3A_280 = tpu.memref_squeeze %dma_start3A_279 : memref<1x1x64x64xf32, #tpu.memory_space<hbm>> -> memref<64x64xf32, #tpu.memory_space<hbm>>
        tpu.enqueue_dma source(%dma_start3A_280 : memref<64x64xf32, #tpu.memory_space<hbm>>) target(%arg6 : memref<64x64xf32, #tpu.memory_space<vmem>>) target_semaphore(%arg19 : memref<!tpu.dma_semaphore, #tpu.memory_space<semaphore_mem>>)
        %dma_start3A_281 = arith.constant 0 : i32
        %dma_start3A_282 = arith.constant 0 : i32
        %dma_start3A_283 = tpu.memref_slice %arg4[%add3A, %dma_start3A_281, %add3A_272, %dma_start3A_282] : memref<32x64x64x64xi32, #tpu.memory_space<hbm>> -> memref<1x64x1x64xi32, #tpu.memory_space<hbm>>
        %dma_start3A_284 = tpu.memref_squeeze %dma_start3A_283 : memref<1x64x1x64xi32, #tpu.memory_space<hbm>> -> memref<64x64xi32, #tpu.memory_space<hbm>>
        %dma_start3A_285 = arith.constant 0 : i32
        %dma_start3A_286 = arith.constant 0 : i32
        %dma_start3A_287 = tpu.memref_slice %arg4[%add3A, %dma_start3A_285, %add3A_272, %dma_start3A_286] : memref<32x64x64x64xi32, #tpu.memory_space<hbm>> -> memref<1x64x1x64xi32, #tpu.memory_space<hbm>>
        %dma_start3A_288 = tpu.memref_squeeze %dma_start3A_287 : memref<1x64x1x64xi32, #tpu.memory_space<hbm>> -> memref<64x64xi32, #tpu.memory_space<hbm>>
        tpu.enqueue_dma source(%dma_start3A_288 : memref<64x64xi32, #tpu.memory_space<hbm>>) target(%arg10 : memref<64x64xi32, #tpu.memory_space<vmem>>) target_semaphore(%arg19 : memref<!tpu.dma_semaphore, #tpu.memory_space<semaphore_mem>>)
        %dma_start3A_289 = arith.constant 0 : i32
        %dma_start3A_290 = arith.constant 0 : i32
        %dma_start3A_291 = tpu.memref_slice %arg3[%add3A, %dma_start3A_289, %add3A_272, %dma_start3A_290] : memref<32x64x64x64xf32, #tpu.memory_space<hbm>> -> memref<1x64x1x64xf32, #tpu.memory_space<hbm>>
        %dma_start3A_292 = tpu.memref_squeeze %dma_start3A_291 : memref<1x64x1x64xf32, #tpu.memory_space<hbm>> -> memref<64x64xf32, #tpu.memory_space<hbm>>
        %dma_start3A_293 = arith.constant 0 : i32
        %dma_start3A_294 = arith.constant 0 : i32
        %dma_start3A_295 = tpu.memref_slice %arg3[%add3A, %dma_start3A_293, %add3A_272, %dma_start3A_294] : memref<32x64x64x64xf32, #tpu.memory_space<hbm>> -> memref<1x64x1x64xf32, #tpu.memory_space<hbm>>
        %dma_start3A_296 = tpu.memref_squeeze %dma_start3A_295 : memref<1x64x1x64xf32, #tpu.memory_space<hbm>> -> memref<64x64xf32, #tpu.memory_space<hbm>>
        tpu.enqueue_dma source(%dma_start3A_296 : memref<64x64xf32, #tpu.memory_space<hbm>>) target(%arg14 : memref<64x64xf32, #tpu.memory_space<vmem>>) target_semaphore(%arg19 : memref<!tpu.dma_semaphore, #tpu.memory_space<semaphore_mem>>)
      } else {
      }
      %add3A_160 = arith.constant 1 : i32
      %add3A_161 = arith.addi %mul3A_127, %add3A_160 : i32
      %dma_wait3A_162 = arith.constant 0 : i32
      %dma_wait3A_163 = arith.constant 0 : i32
      %dma_wait3A_164 = tpu.memref_slice %arg2[%add3A, %add3A_161, %dma_wait3A_162, %dma_wait3A_163] : memref<32x64x64x64xf32, #tpu.memory_space<hbm>> -> memref<1x1x64x64xf32, #tpu.memory_space<hbm>>
      %dma_wait3A_165 = tpu.memref_squeeze %dma_wait3A_164 : memref<1x1x64x64xf32, #tpu.memory_space<hbm>> -> memref<64x64xf32, #tpu.memory_space<hbm>>
      %dma_wait3A_166 = arith.constant 0 : i32
      %dma_wait3A_167 = arith.constant 0 : i32
      %dma_wait3A_168 = tpu.memref_slice %arg2[%add3A, %add3A_161, %dma_wait3A_166, %dma_wait3A_167] : memref<32x64x64x64xf32, #tpu.memory_space<hbm>> -> memref<1x1x64x64xf32, #tpu.memory_space<hbm>>
      %dma_wait3A_169 = tpu.memref_squeeze %dma_wait3A_168 : memref<1x1x64x64xf32, #tpu.memory_space<hbm>> -> memref<64x64xf32, #tpu.memory_space<hbm>>
      tpu.wait_dma2 semaphore(%arg20 : memref<!tpu.dma_semaphore, #tpu.memory_space<semaphore_mem>>) src(%dma_wait3A_169 : memref<64x64xf32, #tpu.memory_space<hbm>>) dst(%arg7 : memref<64x64xf32, #tpu.memory_space<vmem>>)
      %dma_wait3A_170 = arith.constant 0 : i32
      %dma_wait3A_171 = arith.constant 0 : i32
      %dma_wait3A_172 = tpu.memref_slice %arg4[%add3A, %dma_wait3A_170, %add3A_161, %dma_wait3A_171] : memref<32x64x64x64xi32, #tpu.memory_space<hbm>> -> memref<1x64x1x64xi32, #tpu.memory_space<hbm>>
      %dma_wait3A_173 = tpu.memref_squeeze %dma_wait3A_172 : memref<1x64x1x64xi32, #tpu.memory_space<hbm>> -> memref<64x64xi32, #tpu.memory_space<hbm>>
      %dma_wait3A_174 = arith.constant 0 : i32
      %dma_wait3A_175 = arith.constant 0 : i32
      %dma_wait3A_176 = tpu.memref_slice %arg4[%add3A, %dma_wait3A_174, %add3A_161, %dma_wait3A_175] : memref<32x64x64x64xi32, #tpu.memory_space<hbm>> -> memref<1x64x1x64xi32, #tpu.memory_space<hbm>>
      %dma_wait3A_177 = tpu.memref_squeeze %dma_wait3A_176 : memref<1x64x1x64xi32, #tpu.memory_space<hbm>> -> memref<64x64xi32, #tpu.memory_space<hbm>>
      tpu.wait_dma2 semaphore(%arg20 : memref<!tpu.dma_semaphore, #tpu.memory_space<semaphore_mem>>) src(%dma_wait3A_177 : memref<64x64xi32, #tpu.memory_space<hbm>>) dst(%arg11 : memref<64x64xi32, #tpu.memory_space<vmem>>)
      %dma_wait3A_178 = arith.constant 0 : i32
      %dma_wait3A_179 = arith.constant 0 : i32
      %dma_wait3A_180 = tpu.memref_slice %arg3[%add3A, %dma_wait3A_178, %add3A_161, %dma_wait3A_179] : memref<32x64x64x64xf32, #tpu.memory_space<hbm>> -> memref<1x64x1x64xf32, #tpu.memory_space<hbm>>
      %dma_wait3A_181 = tpu.memref_squeeze %dma_wait3A_180 : memref<1x64x1x64xf32, #tpu.memory_space<hbm>> -> memref<64x64xf32, #tpu.memory_space<hbm>>
      %dma_wait3A_182 = arith.constant 0 : i32
      %dma_wait3A_183 = arith.constant 0 : i32
      %dma_wait3A_184 = tpu.memref_slice %arg3[%add3A, %dma_wait3A_182, %add3A_161, %dma_wait3A_183] : memref<32x64x64x64xf32, #tpu.memory_space<hbm>> -> memref<1x64x1x64xf32, #tpu.memory_space<hbm>>
      %dma_wait3A_185 = tpu.memref_squeeze %dma_wait3A_184 : memref<1x64x1x64xf32, #tpu.memory_space<hbm>> -> memref<64x64xf32, #tpu.memory_space<hbm>>
      tpu.wait_dma2 semaphore(%arg20 : memref<!tpu.dma_semaphore, #tpu.memory_space<semaphore_mem>>) src(%dma_wait3A_185 : memref<64x64xf32, #tpu.memory_space<hbm>>) dst(%arg15 : memref<64x64xf32, #tpu.memory_space<vmem>>)
      %parallel_loop3A_186 = arith.constant 0 : i32
      %parallel_loop3A_187 = arith.constant 64 : i32
      %parallel_loop3A_188 = arith.constant 1 : i32
      %parallel_loop3A_189:4 = scf.for %parallel_loop3A_271 = %parallel_loop3A_186 to %parallel_loop3A_187 step %parallel_loop3A_188 iter_args(%parallel_loop3A_272 = %parallel_loop3A_155#0, %parallel_loop3A_273 = %parallel_loop3A_155#1, %parallel_loop3A_274 = %parallel_loop3A_155#2, %parallel_loop3A_275 = %parallel_loop3A_155#3) -> (vector<16xf32>, vector<16xf32>, vector<16xf32>, vector<16xf32>)  : i32 {
        %parallel_loop3A_276 = arith.constant 0 : i32
        %parallel_loop3A_277 = vector.broadcast %parallel_loop3A_276 : i32 to vector<16xi32>
        %parallel_loop3A_278 = vector.broadcast %parallel_loop3A_271 : i32 to vector<16xi32>
        %parallel_loop3A_279 = arith.addi %parallel_loop3A_277, %parallel_loop3A_278 : vector<16xi32>
        %parallel_loop3A_280 = arith.index_cast %parallel_loop3A_271 : i32 to index
        %parallel_loop3A_281 = arith.constant 0 : index
        %parallel_loop3A_282 = tpu.vector_load %arg11[%parallel_loop3A_280, %parallel_loop3A_281] {strides = array<i32>} : memref<64x64xi32, #tpu.memory_space<vmem>>, vector<16xi32>,
        %parallel_loop3A_283 = tpu.vector_load_idx %arg7[%parallel_loop3A_279, %parallel_loop3A_282] : memref<64x64xf32, #tpu.memory_space<vmem>>[vector<16xi32>, vector<16xi32>], vector<16xf32>,
        %parallel_loop3A_284 = arith.index_cast %parallel_loop3A_271 : i32 to index
        %parallel_loop3A_285 = arith.constant 0 : index
        %parallel_loop3A_286 = tpu.vector_load %arg15[%parallel_loop3A_284, %parallel_loop3A_285] {strides = array<i32>} : memref<64x64xf32, #tpu.memory_space<vmem>>, vector<16xf32>,
        %parallel_loop3A_287 = arith.subf %parallel_loop3A_283, %parallel_loop3A_286 : vector<16xf32>
        %parallel_loop3A_288 = arith.mulf %parallel_loop3A_287, %parallel_loop3A_287 : vector<16xf32>
        %parallel_loop3A_289 = arith.addf %parallel_loop3A_272, %parallel_loop3A_288 : vector<16xf32>
        %parallel_loop3A_290 = arith.index_cast %parallel_loop3A_271 : i32 to index
        %parallel_loop3A_291 = arith.constant 16 : index
        %parallel_loop3A_292 = tpu.vector_load %arg11[%parallel_loop3A_290, %parallel_loop3A_291] {strides = array<i32>} : memref<64x64xi32, #tpu.memory_space<vmem>>, vector<16xi32>,
        %parallel_loop3A_293 = tpu.vector_load_idx %arg7[%parallel_loop3A_279, %parallel_loop3A_292] : memref<64x64xf32, #tpu.memory_space<vmem>>[vector<16xi32>, vector<16xi32>], vector<16xf32>,
        %parallel_loop3A_294 = arith.index_cast %parallel_loop3A_271 : i32 to index
        %parallel_loop3A_295 = arith.constant 16 : index
        %parallel_loop3A_296 = tpu.vector_load %arg15[%parallel_loop3A_294, %parallel_loop3A_295] {strides = array<i32>} : memref<64x64xf32, #tpu.memory_space<vmem>>, vector<16xf32>,
        %parallel_loop3A_297 = arith.subf %parallel_loop3A_293, %parallel_loop3A_296 : vector<16xf32>
        %parallel_loop3A_298 = arith.mulf %parallel_loop3A_297, %parallel_loop3A_297 : vector<16xf32>
        %parallel_loop3A_299 = arith.addf %parallel_loop3A_273, %parallel_loop3A_298 : vector<16xf32>
        %parallel_loop3A_300 = arith.index_cast %parallel_loop3A_271 : i32 to index
        %parallel_loop3A_301 = arith.constant 32 : index
        %parallel_loop3A_302 = tpu.vector_load %arg11[%parallel_loop3A_300, %parallel_loop3A_301] {strides = array<i32>} : memref<64x64xi32, #tpu.memory_space<vmem>>, vector<16xi32>,
        %parallel_loop3A_303 = tpu.vector_load_idx %arg7[%parallel_loop3A_279, %parallel_loop3A_302] : memref<64x64xf32, #tpu.memory_space<vmem>>[vector<16xi32>, vector<16xi32>], vector<16xf32>,
        %parallel_loop3A_304 = arith.index_cast %parallel_loop3A_271 : i32 to index
        %parallel_loop3A_305 = arith.constant 32 : index
        %parallel_loop3A_306 = tpu.vector_load %arg15[%parallel_loop3A_304, %parallel_loop3A_305] {strides = array<i32>} : memref<64x64xf32, #tpu.memory_space<vmem>>, vector<16xf32>,
        %parallel_loop3A_307 = arith.subf %parallel_loop3A_303, %parallel_loop3A_306 : vector<16xf32>
        %parallel_loop3A_308 = arith.mulf %parallel_loop3A_307, %parallel_loop3A_307 : vector<16xf32>
        %parallel_loop3A_309 = arith.addf %parallel_loop3A_274, %parallel_loop3A_308 : vector<16xf32>
        %parallel_loop3A_310 = arith.index_cast %parallel_loop3A_271 : i32 to index
        %parallel_loop3A_311 = arith.constant 48 : index
        %parallel_loop3A_312 = tpu.vector_load %arg11[%parallel_loop3A_310, %parallel_loop3A_311] {strides = array<i32>} : memref<64x64xi32, #tpu.memory_space<vmem>>, vector<16xi32>,
        %parallel_loop3A_313 = tpu.vector_load_idx %arg7[%parallel_loop3A_279, %parallel_loop3A_312] : memref<64x64xf32, #tpu.memory_space<vmem>>[vector<16xi32>, vector<16xi32>], vector<16xf32>,
        %parallel_loop3A_314 = arith.index_cast %parallel_loop3A_271 : i32 to index
        %parallel_loop3A_315 = arith.constant 48 : index
        %parallel_loop3A_316 = tpu.vector_load %arg15[%parallel_loop3A_314, %parallel_loop3A_315] {strides = array<i32>} : memref<64x64xf32, #tpu.memory_space<vmem>>, vector<16xf32>,
        %parallel_loop3A_317 = arith.subf %parallel_loop3A_313, %parallel_loop3A_316 : vector<16xf32>
        %parallel_loop3A_318 = arith.mulf %parallel_loop3A_317, %parallel_loop3A_317 : vector<16xf32>
        %parallel_loop3A_319 = arith.addf %parallel_loop3A_275, %parallel_loop3A_318 : vector<16xf32>
        scf.yield %parallel_loop3A_289, %parallel_loop3A_299, %parallel_loop3A_309, %parallel_loop3A_319 : vector<16xf32>, vector<16xf32>, vector<16xf32>, vector<16xf32>
      } {sc.loop_unroll_factor = 4 : i64, sc.parallel_access}
      %add3A_190 = arith.constant 4 : i32
      %add3A_191 = arith.addi %add3A_161, %add3A_190 : i32
      %lt3A_192 = arith.constant 64 : i32
      %lt3A_193 = arith.cmpi slt, %add3A_191, %lt3A_192 : i32
      %convert_element_type3A_194 = arith.extui %lt3A_193 : i1 to i32
      %cond3A_195 = arith.constant 0 : i32
      %cond3A_196 = arith.cmpi ne, %convert_element_type3A_194, %cond3A_195 : i32
      scf.if %cond3A_196 {
        %add3A_271 = arith.constant 4 : i32
        %add3A_272 = arith.addi %add3A_161, %add3A_271 : i32
        %dma_start3A_273 = arith.constant 0 : i32
        %dma_start3A_274 = arith.constant 0 : i32
        %dma_start3A_275 = tpu.memref_slice %arg2[%add3A, %add3A_272, %dma_start3A_273, %dma_start3A_274] : memref<32x64x64x64xf32, #tpu.memory_space<hbm>> -> memref<1x1x64x64xf32, #tpu.memory_space<hbm>>
        %dma_start3A_276 = tpu.memref_squeeze %dma_start3A_275 : memref<1x1x64x64xf32, #tpu.memory_space<hbm>> -> memref<64x64xf32, #tpu.memory_space<hbm>>
        %dma_start3A_277 = arith.constant 0 : i32
        %dma_start3A_278 = arith.constant 0 : i32
        %dma_start3A_279 = tpu.memref_slice %arg2[%add3A, %add3A_272, %dma_start3A_277, %dma_start3A_278] : memref<32x64x64x64xf32, #tpu.memory_space<hbm>> -> memref<1x1x64x64xf32, #tpu.memory_space<hbm>>
        %dma_start3A_280 = tpu.memref_squeeze %dma_start3A_279 : memref<1x1x64x64xf32, #tpu.memory_space<hbm>> -> memref<64x64xf32, #tpu.memory_space<hbm>>
        tpu.enqueue_dma source(%dma_start3A_280 : memref<64x64xf32, #tpu.memory_space<hbm>>) target(%arg7 : memref<64x64xf32, #tpu.memory_space<vmem>>) target_semaphore(%arg20 : memref<!tpu.dma_semaphore, #tpu.memory_space<semaphore_mem>>)
        %dma_start3A_281 = arith.constant 0 : i32
        %dma_start3A_282 = arith.constant 0 : i32
        %dma_start3A_283 = tpu.memref_slice %arg4[%add3A, %dma_start3A_281, %add3A_272, %dma_start3A_282] : memref<32x64x64x64xi32, #tpu.memory_space<hbm>> -> memref<1x64x1x64xi32, #tpu.memory_space<hbm>>
        %dma_start3A_284 = tpu.memref_squeeze %dma_start3A_283 : memref<1x64x1x64xi32, #tpu.memory_space<hbm>> -> memref<64x64xi32, #tpu.memory_space<hbm>>
        %dma_start3A_285 = arith.constant 0 : i32
        %dma_start3A_286 = arith.constant 0 : i32
        %dma_start3A_287 = tpu.memref_slice %arg4[%add3A, %dma_start3A_285, %add3A_272, %dma_start3A_286] : memref<32x64x64x64xi32, #tpu.memory_space<hbm>> -> memref<1x64x1x64xi32, #tpu.memory_space<hbm>>
        %dma_start3A_288 = tpu.memref_squeeze %dma_start3A_287 : memref<1x64x1x64xi32, #tpu.memory_space<hbm>> -> memref<64x64xi32, #tpu.memory_space<hbm>>
        tpu.enqueue_dma source(%dma_start3A_288 : memref<64x64xi32, #tpu.memory_space<hbm>>) target(%arg11 : memref<64x64xi32, #tpu.memory_space<vmem>>) target_semaphore(%arg20 : memref<!tpu.dma_semaphore, #tpu.memory_space<semaphore_mem>>)
        %dma_start3A_289 = arith.constant 0 : i32
        %dma_start3A_290 = arith.constant 0 : i32
        %dma_start3A_291 = tpu.memref_slice %arg3[%add3A, %dma_start3A_289, %add3A_272, %dma_start3A_290] : memref<32x64x64x64xf32, #tpu.memory_space<hbm>> -> memref<1x64x1x64xf32, #tpu.memory_space<hbm>>
        %dma_start3A_292 = tpu.memref_squeeze %dma_start3A_291 : memref<1x64x1x64xf32, #tpu.memory_space<hbm>> -> memref<64x64xf32, #tpu.memory_space<hbm>>
        %dma_start3A_293 = arith.constant 0 : i32
        %dma_start3A_294 = arith.constant 0 : i32
        %dma_start3A_295 = tpu.memref_slice %arg3[%add3A, %dma_start3A_293, %add3A_272, %dma_start3A_294] : memref<32x64x64x64xf32, #tpu.memory_space<hbm>> -> memref<1x64x1x64xf32, #tpu.memory_space<hbm>>
        %dma_start3A_296 = tpu.memref_squeeze %dma_start3A_295 : memref<1x64x1x64xf32, #tpu.memory_space<hbm>> -> memref<64x64xf32, #tpu.memory_space<hbm>>
        tpu.enqueue_dma source(%dma_start3A_296 : memref<64x64xf32, #tpu.memory_space<hbm>>) target(%arg15 : memref<64x64xf32, #tpu.memory_space<vmem>>) target_semaphore(%arg20 : memref<!tpu.dma_semaphore, #tpu.memory_space<semaphore_mem>>)
      } else {
      }
      %add3A_197 = arith.constant 2 : i32
      %add3A_198 = arith.addi %mul3A_127, %add3A_197 : i32
      %dma_wait3A_199 = arith.constant 0 : i32
      %dma_wait3A_200 = arith.constant 0 : i32
      %dma_wait3A_201 = tpu.memref_slice %arg2[%add3A, %add3A_198, %dma_wait3A_199, %dma_wait3A_200] : memref<32x64x64x64xf32, #tpu.memory_space<hbm>> -> memref<1x1x64x64xf32, #tpu.memory_space<hbm>>
      %dma_wait3A_202 = tpu.memref_squeeze %dma_wait3A_201 : memref<1x1x64x64xf32, #tpu.memory_space<hbm>> -> memref<64x64xf32, #tpu.memory_space<hbm>>
      %dma_wait3A_203 = arith.constant 0 : i32
      %dma_wait3A_204 = arith.constant 0 : i32
      %dma_wait3A_205 = tpu.memref_slice %arg2[%add3A, %add3A_198, %dma_wait3A_203, %dma_wait3A_204] : memref<32x64x64x64xf32, #tpu.memory_space<hbm>> -> memref<1x1x64x64xf32, #tpu.memory_space<hbm>>
      %dma_wait3A_206 = tpu.memref_squeeze %dma_wait3A_205 : memref<1x1x64x64xf32, #tpu.memory_space<hbm>> -> memref<64x64xf32, #tpu.memory_space<hbm>>
      tpu.wait_dma2 semaphore(%arg21 : memref<!tpu.dma_semaphore, #tpu.memory_space<semaphore_mem>>) src(%dma_wait3A_206 : memref<64x64xf32, #tpu.memory_space<hbm>>) dst(%arg8 : memref<64x64xf32, #tpu.memory_space<vmem>>)
      %dma_wait3A_207 = arith.constant 0 : i32
      %dma_wait3A_208 = arith.constant 0 : i32
      %dma_wait3A_209 = tpu.memref_slice %arg4[%add3A, %dma_wait3A_207, %add3A_198, %dma_wait3A_208] : memref<32x64x64x64xi32, #tpu.memory_space<hbm>> -> memref<1x64x1x64xi32, #tpu.memory_space<hbm>>
      %dma_wait3A_210 = tpu.memref_squeeze %dma_wait3A_209 : memref<1x64x1x64xi32, #tpu.memory_space<hbm>> -> memref<64x64xi32, #tpu.memory_space<hbm>>
      %dma_wait3A_211 = arith.constant 0 : i32
      %dma_wait3A_212 = arith.constant 0 : i32
      %dma_wait3A_213 = tpu.memref_slice %arg4[%add3A, %dma_wait3A_211, %add3A_198, %dma_wait3A_212] : memref<32x64x64x64xi32, #tpu.memory_space<hbm>> -> memref<1x64x1x64xi32, #tpu.memory_space<hbm>>
      %dma_wait3A_214 = tpu.memref_squeeze %dma_wait3A_213 : memref<1x64x1x64xi32, #tpu.memory_space<hbm>> -> memref<64x64xi32, #tpu.memory_space<hbm>>
      tpu.wait_dma2 semaphore(%arg21 : memref<!tpu.dma_semaphore, #tpu.memory_space<semaphore_mem>>) src(%dma_wait3A_214 : memref<64x64xi32, #tpu.memory_space<hbm>>) dst(%arg12 : memref<64x64xi32, #tpu.memory_space<vmem>>)
      %dma_wait3A_215 = arith.constant 0 : i32
      %dma_wait3A_216 = arith.constant 0 : i32
      %dma_wait3A_217 = tpu.memref_slice %arg3[%add3A, %dma_wait3A_215, %add3A_198, %dma_wait3A_216] : memref<32x64x64x64xf32, #tpu.memory_space<hbm>> -> memref<1x64x1x64xf32, #tpu.memory_space<hbm>>
      %dma_wait3A_218 = tpu.memref_squeeze %dma_wait3A_217 : memref<1x64x1x64xf32, #tpu.memory_space<hbm>> -> memref<64x64xf32, #tpu.memory_space<hbm>>
      %dma_wait3A_219 = arith.constant 0 : i32
      %dma_wait3A_220 = arith.constant 0 : i32
      %dma_wait3A_221 = tpu.memref_slice %arg3[%add3A, %dma_wait3A_219, %add3A_198, %dma_wait3A_220] : memref<32x64x64x64xf32, #tpu.memory_space<hbm>> -> memref<1x64x1x64xf32, #tpu.memory_space<hbm>>
      %dma_wait3A_222 = tpu.memref_squeeze %dma_wait3A_221 : memref<1x64x1x64xf32, #tpu.memory_space<hbm>> -> memref<64x64xf32, #tpu.memory_space<hbm>>
      tpu.wait_dma2 semaphore(%arg21 : memref<!tpu.dma_semaphore, #tpu.memory_space<semaphore_mem>>) src(%dma_wait3A_222 : memref<64x64xf32, #tpu.memory_space<hbm>>) dst(%arg16 : memref<64x64xf32, #tpu.memory_space<vmem>>)
      %parallel_loop3A_223 = arith.constant 0 : i32
      %parallel_loop3A_224 = arith.constant 64 : i32
      %parallel_loop3A_225 = arith.constant 1 : i32
      %parallel_loop3A_226:4 = scf.for %parallel_loop3A_271 = %parallel_loop3A_223 to %parallel_loop3A_224 step %parallel_loop3A_225 iter_args(%parallel_loop3A_272 = %parallel_loop3A_189#0, %parallel_loop3A_273 = %parallel_loop3A_189#1, %parallel_loop3A_274 = %parallel_loop3A_189#2, %parallel_loop3A_275 = %parallel_loop3A_189#3) -> (vector<16xf32>, vector<16xf32>, vector<16xf32>, vector<16xf32>)  : i32 {
        %parallel_loop3A_276 = arith.constant 0 : i32
        %parallel_loop3A_277 = vector.broadcast %parallel_loop3A_276 : i32 to vector<16xi32>
        %parallel_loop3A_278 = vector.broadcast %parallel_loop3A_271 : i32 to vector<16xi32>
        %parallel_loop3A_279 = arith.addi %parallel_loop3A_277, %parallel_loop3A_278 : vector<16xi32>
        %parallel_loop3A_280 = arith.index_cast %parallel_loop3A_271 : i32 to index
        %parallel_loop3A_281 = arith.constant 0 : index
        %parallel_loop3A_282 = tpu.vector_load %arg12[%parallel_loop3A_280, %parallel_loop3A_281] {strides = array<i32>} : memref<64x64xi32, #tpu.memory_space<vmem>>, vector<16xi32>,
        %parallel_loop3A_283 = tpu.vector_load_idx %arg8[%parallel_loop3A_279, %parallel_loop3A_282] : memref<64x64xf32, #tpu.memory_space<vmem>>[vector<16xi32>, vector<16xi32>], vector<16xf32>,
        %parallel_loop3A_284 = arith.index_cast %parallel_loop3A_271 : i32 to index
        %parallel_loop3A_285 = arith.constant 0 : index
        %parallel_loop3A_286 = tpu.vector_load %arg16[%parallel_loop3A_284, %parallel_loop3A_285] {strides = array<i32>} : memref<64x64xf32, #tpu.memory_space<vmem>>, vector<16xf32>,
        %parallel_loop3A_287 = arith.subf %parallel_loop3A_283, %parallel_loop3A_286 : vector<16xf32>
        %parallel_loop3A_288 = arith.mulf %parallel_loop3A_287, %parallel_loop3A_287 : vector<16xf32>
        %parallel_loop3A_289 = arith.addf %parallel_loop3A_272, %parallel_loop3A_288 : vector<16xf32>
        %parallel_loop3A_290 = arith.index_cast %parallel_loop3A_271 : i32 to index
        %parallel_loop3A_291 = arith.constant 16 : index
        %parallel_loop3A_292 = tpu.vector_load %arg12[%parallel_loop3A_290, %parallel_loop3A_291] {strides = array<i32>} : memref<64x64xi32, #tpu.memory_space<vmem>>, vector<16xi32>,
        %parallel_loop3A_293 = tpu.vector_load_idx %arg8[%parallel_loop3A_279, %parallel_loop3A_292] : memref<64x64xf32, #tpu.memory_space<vmem>>[vector<16xi32>, vector<16xi32>], vector<16xf32>,
        %parallel_loop3A_294 = arith.index_cast %parallel_loop3A_271 : i32 to index
        %parallel_loop3A_295 = arith.constant 16 : index
        %parallel_loop3A_296 = tpu.vector_load %arg16[%parallel_loop3A_294, %parallel_loop3A_295] {strides = array<i32>} : memref<64x64xf32, #tpu.memory_space<vmem>>, vector<16xf32>,
        %parallel_loop3A_297 = arith.subf %parallel_loop3A_293, %parallel_loop3A_296 : vector<16xf32>
        %parallel_loop3A_298 = arith.mulf %parallel_loop3A_297, %parallel_loop3A_297 : vector<16xf32>
        %parallel_loop3A_299 = arith.addf %parallel_loop3A_273, %parallel_loop3A_298 : vector<16xf32>
        %parallel_loop3A_300 = arith.index_cast %parallel_loop3A_271 : i32 to index
        %parallel_loop3A_301 = arith.constant 32 : index
        %parallel_loop3A_302 = tpu.vector_load %arg12[%parallel_loop3A_300, %parallel_loop3A_301] {strides = array<i32>} : memref<64x64xi32, #tpu.memory_space<vmem>>, vector<16xi32>,
        %parallel_loop3A_303 = tpu.vector_load_idx %arg8[%parallel_loop3A_279, %parallel_loop3A_302] : memref<64x64xf32, #tpu.memory_space<vmem>>[vector<16xi32>, vector<16xi32>], vector<16xf32>,
        %parallel_loop3A_304 = arith.index_cast %parallel_loop3A_271 : i32 to index
        %parallel_loop3A_305 = arith.constant 32 : index
        %parallel_loop3A_306 = tpu.vector_load %arg16[%parallel_loop3A_304, %parallel_loop3A_305] {strides = array<i32>} : memref<64x64xf32, #tpu.memory_space<vmem>>, vector<16xf32>,
        %parallel_loop3A_307 = arith.subf %parallel_loop3A_303, %parallel_loop3A_306 : vector<16xf32>
        %parallel_loop3A_308 = arith.mulf %parallel_loop3A_307, %parallel_loop3A_307 : vector<16xf32>
        %parallel_loop3A_309 = arith.addf %parallel_loop3A_274, %parallel_loop3A_308 : vector<16xf32>
        %parallel_loop3A_310 = arith.index_cast %parallel_loop3A_271 : i32 to index
        %parallel_loop3A_311 = arith.constant 48 : index
        %parallel_loop3A_312 = tpu.vector_load %arg12[%parallel_loop3A_310, %parallel_loop3A_311] {strides = array<i32>} : memref<64x64xi32, #tpu.memory_space<vmem>>, vector<16xi32>,
        %parallel_loop3A_313 = tpu.vector_load_idx %arg8[%parallel_loop3A_279, %parallel_loop3A_312] : memref<64x64xf32, #tpu.memory_space<vmem>>[vector<16xi32>, vector<16xi32>], vector<16xf32>,
        %parallel_loop3A_314 = arith.index_cast %parallel_loop3A_271 : i32 to index
        %parallel_loop3A_315 = arith.constant 48 : index
        %parallel_loop3A_316 = tpu.vector_load %arg16[%parallel_loop3A_314, %parallel_loop3A_315] {strides = array<i32>} : memref<64x64xf32, #tpu.memory_space<vmem>>, vector<16xf32>,
        %parallel_loop3A_317 = arith.subf %parallel_loop3A_313, %parallel_loop3A_316 : vector<16xf32>
        %parallel_loop3A_318 = arith.mulf %parallel_loop3A_317, %parallel_loop3A_317 : vector<16xf32>
        %parallel_loop3A_319 = arith.addf %parallel_loop3A_275, %parallel_loop3A_318 : vector<16xf32>
        scf.yield %parallel_loop3A_289, %parallel_loop3A_299, %parallel_loop3A_309, %parallel_loop3A_319 : vector<16xf32>, vector<16xf32>, vector<16xf32>, vector<16xf32>
      } {sc.loop_unroll_factor = 4 : i64, sc.parallel_access}
      %add3A_227 = arith.constant 4 : i32
      %add3A_228 = arith.addi %add3A_198, %add3A_227 : i32
      %lt3A_229 = arith.constant 64 : i32
      %lt3A_230 = arith.cmpi slt, %add3A_228, %lt3A_229 : i32
      %convert_element_type3A_231 = arith.extui %lt3A_230 : i1 to i32
      %cond3A_232 = arith.constant 0 : i32
      %cond3A_233 = arith.cmpi ne, %convert_element_type3A_231, %cond3A_232 : i32
      scf.if %cond3A_233 {
        %add3A_271 = arith.constant 4 : i32
        %add3A_272 = arith.addi %add3A_198, %add3A_271 : i32
        %dma_start3A_273 = arith.constant 0 : i32
        %dma_start3A_274 = arith.constant 0 : i32
        %dma_start3A_275 = tpu.memref_slice %arg2[%add3A, %add3A_272, %dma_start3A_273, %dma_start3A_274] : memref<32x64x64x64xf32, #tpu.memory_space<hbm>> -> memref<1x1x64x64xf32, #tpu.memory_space<hbm>>
        %dma_start3A_276 = tpu.memref_squeeze %dma_start3A_275 : memref<1x1x64x64xf32, #tpu.memory_space<hbm>> -> memref<64x64xf32, #tpu.memory_space<hbm>>
        %dma_start3A_277 = arith.constant 0 : i32
        %dma_start3A_278 = arith.constant 0 : i32
        %dma_start3A_279 = tpu.memref_slice %arg2[%add3A, %add3A_272, %dma_start3A_277, %dma_start3A_278] : memref<32x64x64x64xf32, #tpu.memory_space<hbm>> -> memref<1x1x64x64xf32, #tpu.memory_space<hbm>>
        %dma_start3A_280 = tpu.memref_squeeze %dma_start3A_279 : memref<1x1x64x64xf32, #tpu.memory_space<hbm>> -> memref<64x64xf32, #tpu.memory_space<hbm>>
        tpu.enqueue_dma source(%dma_start3A_280 : memref<64x64xf32, #tpu.memory_space<hbm>>) target(%arg8 : memref<64x64xf32, #tpu.memory_space<vmem>>) target_semaphore(%arg21 : memref<!tpu.dma_semaphore, #tpu.memory_space<semaphore_mem>>)
        %dma_start3A_281 = arith.constant 0 : i32
        %dma_start3A_282 = arith.constant 0 : i32
        %dma_start3A_283 = tpu.memref_slice %arg4[%add3A, %dma_start3A_281, %add3A_272, %dma_start3A_282] : memref<32x64x64x64xi32, #tpu.memory_space<hbm>> -> memref<1x64x1x64xi32, #tpu.memory_space<hbm>>
        %dma_start3A_284 = tpu.memref_squeeze %dma_start3A_283 : memref<1x64x1x64xi32, #tpu.memory_space<hbm>> -> memref<64x64xi32, #tpu.memory_space<hbm>>
        %dma_start3A_285 = arith.constant 0 : i32
        %dma_start3A_286 = arith.constant 0 : i32
        %dma_start3A_287 = tpu.memref_slice %arg4[%add3A, %dma_start3A_285, %add3A_272, %dma_start3A_286] : memref<32x64x64x64xi32, #tpu.memory_space<hbm>> -> memref<1x64x1x64xi32, #tpu.memory_space<hbm>>
        %dma_start3A_288 = tpu.memref_squeeze %dma_start3A_287 : memref<1x64x1x64xi32, #tpu.memory_space<hbm>> -> memref<64x64xi32, #tpu.memory_space<hbm>>
        tpu.enqueue_dma source(%dma_start3A_288 : memref<64x64xi32, #tpu.memory_space<hbm>>) target(%arg12 : memref<64x64xi32, #tpu.memory_space<vmem>>) target_semaphore(%arg21 : memref<!tpu.dma_semaphore, #tpu.memory_space<semaphore_mem>>)
        %dma_start3A_289 = arith.constant 0 : i32
        %dma_start3A_290 = arith.constant 0 : i32
        %dma_start3A_291 = tpu.memref_slice %arg3[%add3A, %dma_start3A_289, %add3A_272, %dma_start3A_290] : memref<32x64x64x64xf32, #tpu.memory_space<hbm>> -> memref<1x64x1x64xf32, #tpu.memory_space<hbm>>
        %dma_start3A_292 = tpu.memref_squeeze %dma_start3A_291 : memref<1x64x1x64xf32, #tpu.memory_space<hbm>> -> memref<64x64xf32, #tpu.memory_space<hbm>>
        %dma_start3A_293 = arith.constant 0 : i32
        %dma_start3A_294 = arith.constant 0 : i32
        %dma_start3A_295 = tpu.memref_slice %arg3[%add3A, %dma_start3A_293, %add3A_272, %dma_start3A_294] : memref<32x64x64x64xf32, #tpu.memory_space<hbm>> -> memref<1x64x1x64xf32, #tpu.memory_space<hbm>>
        %dma_start3A_296 = tpu.memref_squeeze %dma_start3A_295 : memref<1x64x1x64xf32, #tpu.memory_space<hbm>> -> memref<64x64xf32, #tpu.memory_space<hbm>>
        tpu.enqueue_dma source(%dma_start3A_296 : memref<64x64xf32, #tpu.memory_space<hbm>>) target(%arg16 : memref<64x64xf32, #tpu.memory_space<vmem>>) target_semaphore(%arg21 : memref<!tpu.dma_semaphore, #tpu.memory_space<semaphore_mem>>)
      } else {
      }
      %add3A_234 = arith.constant 3 : i32
      %add3A_235 = arith.addi %mul3A_127, %add3A_234 : i32
      %dma_wait3A_236 = arith.constant 0 : i32
      %dma_wait3A_237 = arith.constant 0 : i32
      %dma_wait3A_238 = tpu.memref_slice %arg2[%add3A, %add3A_235, %dma_wait3A_236, %dma_wait3A_237] : memref<32x64x64x64xf32, #tpu.memory_space<hbm>> -> memref<1x1x64x64xf32, #tpu.memory_space<hbm>>
      %dma_wait3A_239 = tpu.memref_squeeze %dma_wait3A_238 : memref<1x1x64x64xf32, #tpu.memory_space<hbm>> -> memref<64x64xf32, #tpu.memory_space<hbm>>
      %dma_wait3A_240 = arith.constant 0 : i32
      %dma_wait3A_241 = arith.constant 0 : i32
      %dma_wait3A_242 = tpu.memref_slice %arg2[%add3A, %add3A_235, %dma_wait3A_240, %dma_wait3A_241] : memref<32x64x64x64xf32, #tpu.memory_space<hbm>> -> memref<1x1x64x64xf32, #tpu.memory_space<hbm>>
      %dma_wait3A_243 = tpu.memref_squeeze %dma_wait3A_242 : memref<1x1x64x64xf32, #tpu.memory_space<hbm>> -> memref<64x64xf32, #tpu.memory_space<hbm>>
      tpu.wait_dma2 semaphore(%arg22 : memref<!tpu.dma_semaphore, #tpu.memory_space<semaphore_mem>>) src(%dma_wait3A_243 : memref<64x64xf32, #tpu.memory_space<hbm>>) dst(%arg9 : memref<64x64xf32, #tpu.memory_space<vmem>>)
      %dma_wait3A_244 = arith.constant 0 : i32
      %dma_wait3A_245 = arith.constant 0 : i32
      %dma_wait3A_246 = tpu.memref_slice %arg4[%add3A, %dma_wait3A_244, %add3A_235, %dma_wait3A_245] : memref<32x64x64x64xi32, #tpu.memory_space<hbm>> -> memref<1x64x1x64xi32, #tpu.memory_space<hbm>>
      %dma_wait3A_247 = tpu.memref_squeeze %dma_wait3A_246 : memref<1x64x1x64xi32, #tpu.memory_space<hbm>> -> memref<64x64xi32, #tpu.memory_space<hbm>>
      %dma_wait3A_248 = arith.constant 0 : i32
      %dma_wait3A_249 = arith.constant 0 : i32
      %dma_wait3A_250 = tpu.memref_slice %arg4[%add3A, %dma_wait3A_248, %add3A_235, %dma_wait3A_249] : memref<32x64x64x64xi32, #tpu.memory_space<hbm>> -> memref<1x64x1x64xi32, #tpu.memory_space<hbm>>
      %dma_wait3A_251 = tpu.memref_squeeze %dma_wait3A_250 : memref<1x64x1x64xi32, #tpu.memory_space<hbm>> -> memref<64x64xi32, #tpu.memory_space<hbm>>
      tpu.wait_dma2 semaphore(%arg22 : memref<!tpu.dma_semaphore, #tpu.memory_space<semaphore_mem>>) src(%dma_wait3A_251 : memref<64x64xi32, #tpu.memory_space<hbm>>) dst(%arg13 : memref<64x64xi32, #tpu.memory_space<vmem>>)
      %dma_wait3A_252 = arith.constant 0 : i32
      %dma_wait3A_253 = arith.constant 0 : i32
      %dma_wait3A_254 = tpu.memref_slice %arg3[%add3A, %dma_wait3A_252, %add3A_235, %dma_wait3A_253] : memref<32x64x64x64xf32, #tpu.memory_space<hbm>> -> memref<1x64x1x64xf32, #tpu.memory_space<hbm>>
      %dma_wait3A_255 = tpu.memref_squeeze %dma_wait3A_254 : memref<1x64x1x64xf32, #tpu.memory_space<hbm>> -> memref<64x64xf32, #tpu.memory_space<hbm>>
      %dma_wait3A_256 = arith.constant 0 : i32
      %dma_wait3A_257 = arith.constant 0 : i32
      %dma_wait3A_258 = tpu.memref_slice %arg3[%add3A, %dma_wait3A_256, %add3A_235, %dma_wait3A_257] : memref<32x64x64x64xf32, #tpu.memory_space<hbm>> -> memref<1x64x1x64xf32, #tpu.memory_space<hbm>>
      %dma_wait3A_259 = tpu.memref_squeeze %dma_wait3A_258 : memref<1x64x1x64xf32, #tpu.memory_space<hbm>> -> memref<64x64xf32, #tpu.memory_space<hbm>>
      tpu.wait_dma2 semaphore(%arg22 : memref<!tpu.dma_semaphore, #tpu.memory_space<semaphore_mem>>) src(%dma_wait3A_259 : memref<64x64xf32, #tpu.memory_space<hbm>>) dst(%arg17 : memref<64x64xf32, #tpu.memory_space<vmem>>)
      %parallel_loop3A_260 = arith.constant 0 : i32
      %parallel_loop3A_261 = arith.constant 64 : i32
      %parallel_loop3A_262 = arith.constant 1 : i32
      %parallel_loop3A_263:4 = scf.for %parallel_loop3A_271 = %parallel_loop3A_260 to %parallel_loop3A_261 step %parallel_loop3A_262 iter_args(%parallel_loop3A_272 = %parallel_loop3A_226#0, %parallel_loop3A_273 = %parallel_loop3A_226#1, %parallel_loop3A_274 = %parallel_loop3A_226#2, %parallel_loop3A_275 = %parallel_loop3A_226#3) -> (vector<16xf32>, vector<16xf32>, vector<16xf32>, vector<16xf32>)  : i32 {
        %parallel_loop3A_276 = arith.constant 0 : i32
        %parallel_loop3A_277 = vector.broadcast %parallel_loop3A_276 : i32 to vector<16xi32>
        %parallel_loop3A_278 = vector.broadcast %parallel_loop3A_271 : i32 to vector<16xi32>
        %parallel_loop3A_279 = arith.addi %parallel_loop3A_277, %parallel_loop3A_278 : vector<16xi32>
        %parallel_loop3A_280 = arith.index_cast %parallel_loop3A_271 : i32 to index
        %parallel_loop3A_281 = arith.constant 0 : index
        %parallel_loop3A_282 = tpu.vector_load %arg13[%parallel_loop3A_280, %parallel_loop3A_281] {strides = array<i32>} : memref<64x64xi32, #tpu.memory_space<vmem>>, vector<16xi32>,
        %parallel_loop3A_283 = tpu.vector_load_idx %arg9[%parallel_loop3A_279, %parallel_loop3A_282] : memref<64x64xf32, #tpu.memory_space<vmem>>[vector<16xi32>, vector<16xi32>], vector<16xf32>,
        %parallel_loop3A_284 = arith.index_cast %parallel_loop3A_271 : i32 to index
        %parallel_loop3A_285 = arith.constant 0 : index
        %parallel_loop3A_286 = tpu.vector_load %arg17[%parallel_loop3A_284, %parallel_loop3A_285] {strides = array<i32>} : memref<64x64xf32, #tpu.memory_space<vmem>>, vector<16xf32>,
        %parallel_loop3A_287 = arith.subf %parallel_loop3A_283, %parallel_loop3A_286 : vector<16xf32>
        %parallel_loop3A_288 = arith.mulf %parallel_loop3A_287, %parallel_loop3A_287 : vector<16xf32>
        %parallel_loop3A_289 = arith.addf %parallel_loop3A_272, %parallel_loop3A_288 : vector<16xf32>
        %parallel_loop3A_290 = arith.index_cast %parallel_loop3A_271 : i32 to index
        %parallel_loop3A_291 = arith.constant 16 : index
        %parallel_loop3A_292 = tpu.vector_load %arg13[%parallel_loop3A_290, %parallel_loop3A_291] {strides = array<i32>} : memref<64x64xi32, #tpu.memory_space<vmem>>, vector<16xi32>,
        %parallel_loop3A_293 = tpu.vector_load_idx %arg9[%parallel_loop3A_279, %parallel_loop3A_292] : memref<64x64xf32, #tpu.memory_space<vmem>>[vector<16xi32>, vector<16xi32>], vector<16xf32>,
        %parallel_loop3A_294 = arith.index_cast %parallel_loop3A_271 : i32 to index
        %parallel_loop3A_295 = arith.constant 16 : index
        %parallel_loop3A_296 = tpu.vector_load %arg17[%parallel_loop3A_294, %parallel_loop3A_295] {strides = array<i32>} : memref<64x64xf32, #tpu.memory_space<vmem>>, vector<16xf32>,
        %parallel_loop3A_297 = arith.subf %parallel_loop3A_293, %parallel_loop3A_296 : vector<16xf32>
        %parallel_loop3A_298 = arith.mulf %parallel_loop3A_297, %parallel_loop3A_297 : vector<16xf32>
        %parallel_loop3A_299 = arith.addf %parallel_loop3A_273, %parallel_loop3A_298 : vector<16xf32>
        %parallel_loop3A_300 = arith.index_cast %parallel_loop3A_271 : i32 to index
        %parallel_loop3A_301 = arith.constant 32 : index
        %parallel_loop3A_302 = tpu.vector_load %arg13[%parallel_loop3A_300, %parallel_loop3A_301] {strides = array<i32>} : memref<64x64xi32, #tpu.memory_space<vmem>>, vector<16xi32>,
        %parallel_loop3A_303 = tpu.vector_load_idx %arg9[%parallel_loop3A_279, %parallel_loop3A_302] : memref<64x64xf32, #tpu.memory_space<vmem>>[vector<16xi32>, vector<16xi32>], vector<16xf32>,
        %parallel_loop3A_304 = arith.index_cast %parallel_loop3A_271 : i32 to index
        %parallel_loop3A_305 = arith.constant 32 : index
        %parallel_loop3A_306 = tpu.vector_load %arg17[%parallel_loop3A_304, %parallel_loop3A_305] {strides = array<i32>} : memref<64x64xf32, #tpu.memory_space<vmem>>, vector<16xf32>,
        %parallel_loop3A_307 = arith.subf %parallel_loop3A_303, %parallel_loop3A_306 : vector<16xf32>
        %parallel_loop3A_308 = arith.mulf %parallel_loop3A_307, %parallel_loop3A_307 : vector<16xf32>
        %parallel_loop3A_309 = arith.addf %parallel_loop3A_274, %parallel_loop3A_308 : vector<16xf32>
        %parallel_loop3A_310 = arith.index_cast %parallel_loop3A_271 : i32 to index
        %parallel_loop3A_311 = arith.constant 48 : index
        %parallel_loop3A_312 = tpu.vector_load %arg13[%parallel_loop3A_310, %parallel_loop3A_311] {strides = array<i32>} : memref<64x64xi32, #tpu.memory_space<vmem>>, vector<16xi32>,
        %parallel_loop3A_313 = tpu.vector_load_idx %arg9[%parallel_loop3A_279, %parallel_loop3A_312] : memref<64x64xf32, #tpu.memory_space<vmem>>[vector<16xi32>, vector<16xi32>], vector<16xf32>,
        %parallel_loop3A_314 = arith.index_cast %parallel_loop3A_271 : i32 to index
        %parallel_loop3A_315 = arith.constant 48 : index
        %parallel_loop3A_316 = tpu.vector_load %arg17[%parallel_loop3A_314, %parallel_loop3A_315] {strides = array<i32>} : memref<64x64xf32, #tpu.memory_space<vmem>>, vector<16xf32>,
        %parallel_loop3A_317 = arith.subf %parallel_loop3A_313, %parallel_loop3A_316 : vector<16xf32>
        %parallel_loop3A_318 = arith.mulf %parallel_loop3A_317, %parallel_loop3A_317 : vector<16xf32>
        %parallel_loop3A_319 = arith.addf %parallel_loop3A_275, %parallel_loop3A_318 : vector<16xf32>
        scf.yield %parallel_loop3A_289, %parallel_loop3A_299, %parallel_loop3A_309, %parallel_loop3A_319 : vector<16xf32>, vector<16xf32>, vector<16xf32>, vector<16xf32>
      } {sc.loop_unroll_factor = 4 : i64, sc.parallel_access}
      %add3A_264 = arith.constant 4 : i32
      %add3A_265 = arith.addi %add3A_235, %add3A_264 : i32
      %lt3A_266 = arith.constant 64 : i32
      %lt3A_267 = arith.cmpi slt, %add3A_265, %lt3A_266 : i32
      %convert_element_type3A_268 = arith.extui %lt3A_267 : i1 to i32
      %cond3A_269 = arith.constant 0 : i32
      %cond3A_270 = arith.cmpi ne, %convert_element_type3A_268, %cond3A_269 : i32
      scf.if %cond3A_270 {
        %add3A_271 = arith.constant 4 : i32
        %add3A_272 = arith.addi %add3A_235, %add3A_271 : i32
        %dma_start3A_273 = arith.constant 0 : i32
        %dma_start3A_274 = arith.constant 0 : i32
        %dma_start3A_275 = tpu.memref_slice %arg2[%add3A, %add3A_272, %dma_start3A_273, %dma_start3A_274] : memref<32x64x64x64xf32, #tpu.memory_space<hbm>> -> memref<1x1x64x64xf32, #tpu.memory_space<hbm>>
        %dma_start3A_276 = tpu.memref_squeeze %dma_start3A_275 : memref<1x1x64x64xf32, #tpu.memory_space<hbm>> -> memref<64x64xf32, #tpu.memory_space<hbm>>
        %dma_start3A_277 = arith.constant 0 : i32
        %dma_start3A_278 = arith.constant 0 : i32
        %dma_start3A_279 = tpu.memref_slice %arg2[%add3A, %add3A_272, %dma_start3A_277, %dma_start3A_278] : memref<32x64x64x64xf32, #tpu.memory_space<hbm>> -> memref<1x1x64x64xf32, #tpu.memory_space<hbm>>
        %dma_start3A_280 = tpu.memref_squeeze %dma_start3A_279 : memref<1x1x64x64xf32, #tpu.memory_space<hbm>> -> memref<64x64xf32, #tpu.memory_space<hbm>>
        tpu.enqueue_dma source(%dma_start3A_280 : memref<64x64xf32, #tpu.memory_space<hbm>>) target(%arg9 : memref<64x64xf32, #tpu.memory_space<vmem>>) target_semaphore(%arg22 : memref<!tpu.dma_semaphore, #tpu.memory_space<semaphore_mem>>)
        %dma_start3A_281 = arith.constant 0 : i32
        %dma_start3A_282 = arith.constant 0 : i32
        %dma_start3A_283 = tpu.memref_slice %arg4[%add3A, %dma_start3A_281, %add3A_272, %dma_start3A_282] : memref<32x64x64x64xi32, #tpu.memory_space<hbm>> -> memref<1x64x1x64xi32, #tpu.memory_space<hbm>>
        %dma_start3A_284 = tpu.memref_squeeze %dma_start3A_283 : memref<1x64x1x64xi32, #tpu.memory_space<hbm>> -> memref<64x64xi32, #tpu.memory_space<hbm>>
        %dma_start3A_285 = arith.constant 0 : i32
        %dma_start3A_286 = arith.constant 0 : i32
        %dma_start3A_287 = tpu.memref_slice %arg4[%add3A, %dma_start3A_285, %add3A_272, %dma_start3A_286] : memref<32x64x64x64xi32, #tpu.memory_space<hbm>> -> memref<1x64x1x64xi32, #tpu.memory_space<hbm>>
        %dma_start3A_288 = tpu.memref_squeeze %dma_start3A_287 : memref<1x64x1x64xi32, #tpu.memory_space<hbm>> -> memref<64x64xi32, #tpu.memory_space<hbm>>
        tpu.enqueue_dma source(%dma_start3A_288 : memref<64x64xi32, #tpu.memory_space<hbm>>) target(%arg13 : memref<64x64xi32, #tpu.memory_space<vmem>>) target_semaphore(%arg22 : memref<!tpu.dma_semaphore, #tpu.memory_space<semaphore_mem>>)
        %dma_start3A_289 = arith.constant 0 : i32
        %dma_start3A_290 = arith.constant 0 : i32
        %dma_start3A_291 = tpu.memref_slice %arg3[%add3A, %dma_start3A_289, %add3A_272, %dma_start3A_290] : memref<32x64x64x64xf32, #tpu.memory_space<hbm>> -> memref<1x64x1x64xf32, #tpu.memory_space<hbm>>
        %dma_start3A_292 = tpu.memref_squeeze %dma_start3A_291 : memref<1x64x1x64xf32, #tpu.memory_space<hbm>> -> memref<64x64xf32, #tpu.memory_space<hbm>>
        %dma_start3A_293 = arith.constant 0 : i32
        %dma_start3A_294 = arith.constant 0 : i32
        %dma_start3A_295 = tpu.memref_slice %arg3[%add3A, %dma_start3A_293, %add3A_272, %dma_start3A_294] : memref<32x64x64x64xf32, #tpu.memory_space<hbm>> -> memref<1x64x1x64xf32, #tpu.memory_space<hbm>>
        %dma_start3A_296 = tpu.memref_squeeze %dma_start3A_295 : memref<1x64x1x64xf32, #tpu.memory_space<hbm>> -> memref<64x64xf32, #tpu.memory_space<hbm>>
        tpu.enqueue_dma source(%dma_start3A_296 : memref<64x64xf32, #tpu.memory_space<hbm>>) target(%arg17 : memref<64x64xf32, #tpu.memory_space<vmem>>) target_semaphore(%arg22 : memref<!tpu.dma_semaphore, #tpu.memory_space<semaphore_mem>>)
      } else {
      }
      scf.yield %parallel_loop3A_263#0, %parallel_loop3A_263#1, %parallel_loop3A_263#2, %parallel_loop3A_263#3 : vector<16xf32>, vector<16xf32>, vector<16xf32>, vector<16xf32>
    }
    %scan3A_113 = arith.constant 16 : i32
    %add3A_114 = arith.addf %scan3A_112#0, %scan3A_112#1 : vector<16xf32>
    %add3A_115 = arith.addf %scan3A_112#2, %scan3A_112#3 : vector<16xf32>
    %add3A_116 = arith.addf %add3A_114, %add3A_115 : vector<16xf32>
    %mul3A_117 = arith.constant 1.1920929E-7 : f32
    %mul3A_118 = vector.broadcast %mul3A_117 : f32 to vector<16xf32>
    %mul3A_119 = arith.mulf %add3A_116, %mul3A_118 : vector<16xf32>
    %swap3A = arith.constant 0 : index
    %swap3A_120 = tpu.vector_load %arg18[%swap3A] {strides = array<i32>} : memref<16xf32, #tpu.memory_space<vmem>>, vector<16xf32>,
    tpu.vector_store %arg18[%swap3A], %mul3A_119 {strides = array<i32>} : memref<16xf32, #tpu.memory_space<vmem>>, vector<16xf32>,
    "tpu.region"() ({
      %run_scoped3A = tpu.sem_alloc : memref<!tpu.dma_semaphore, #tpu.memory_space<semaphore_mem>>
      %dma_start3A_121 = arith.constant 0 : i32
      %dma_start3A_122 = tpu.memref_slice %arg5[%add3A, %dma_start3A_121] : memref<32x16xf32, #tpu.memory_space<hbm>> -> memref<1x16xf32, #tpu.memory_space<hbm>>
      %dma_start3A_123 = tpu.memref_squeeze %dma_start3A_122 : memref<1x16xf32, #tpu.memory_space<hbm>> -> memref<16xf32, #tpu.memory_space<hbm>>
      %dma_start3A_124 = arith.constant 0 : i32
      %dma_start3A_125 = tpu.memref_slice %arg5[%add3A, %dma_start3A_124] : memref<32x16xf32, #tpu.memory_space<hbm>> -> memref<1x16xf32, #tpu.memory_space<hbm>>
      %dma_start3A_126 = tpu.memref_squeeze %dma_start3A_125 : memref<1x16xf32, #tpu.memory_space<hbm>> -> memref<16xf32, #tpu.memory_space<hbm>>
      tpu.enqueue_dma source(%arg18 : memref<16xf32, #tpu.memory_space<vmem>>) target(%dma_start3A_126 : memref<16xf32, #tpu.memory_space<hbm>>) target_semaphore(%run_scoped3A : memref<!tpu.dma_semaphore, #tpu.memory_space<semaphore_mem>>)
      %dma_wait3A = arith.constant 0 : i32
      %dma_wait3A_127 = tpu.memref_slice %arg5[%add3A, %dma_wait3A] : memref<32x16xf32, #tpu.memory_space<hbm>> -> memref<1x16xf32, #tpu.memory_space<hbm>>
      %dma_wait3A_128 = tpu.memref_squeeze %dma_wait3A_127 : memref<1x16xf32, #tpu.memory_space<hbm>> -> memref<16xf32, #tpu.memory_space<hbm>>
      %dma_wait3A_129 = arith.constant 0 : i32
      %dma_wait3A_130 = tpu.memref_slice %arg5[%add3A, %dma_wait3A_129] : memref<32x16xf32, #tpu.memory_space<hbm>> -> memref<1x16xf32, #tpu.memory_space<hbm>>
      %dma_wait3A_131 = tpu.memref_squeeze %dma_wait3A_130 : memref<1x16xf32, #tpu.memory_space<hbm>> -> memref<16xf32, #tpu.memory_space<hbm>>
      tpu.wait_dma2 semaphore(%run_scoped3A : memref<!tpu.dma_semaphore, #tpu.memory_space<semaphore_mem>>) src(%arg18 : memref<16xf32, #tpu.memory_space<vmem>>) dst(%dma_wait3A_131 : memref<16xf32, #tpu.memory_space<hbm>>)
      tpu.yield
    }) : () -> ()
    return
  }
}

module attributes {stable_mosaic.version = 14 : i64} {
  func.func @_xt_body(%arg0: i32, %arg1: memref<8x64x64xf32, #tpu.memory_space<vmem>>, %arg2: memref<8x64x64xf32, #tpu.memory_space<vmem>>) attributes {dimension_semantics = [#tpu.dimension_semantics<arbitrary>], iteration_bounds = array<i64: 256>, scalar_prefetch = 0 : i64, scratch_operands = 0 : i64, tpu.core_type = #tpu.core_type<tc>, window_params = [{transform_indices = @transform_0, window_bounds = array<i64: 8, 64, 64>}, {transform_indices = @transform_1, window_bounds = array<i64: 8, 64, 64>}]} {
    %get3A = arith.constant 0 : index
    %get3A_0 = arith.constant 0 : index
    %get3A_1 = arith.constant 0 : index
    %get3A_2 = vector.load %arg1[%get3A, %get3A_0, %get3A_1] : memref<8x64x64xf32, #tpu.memory_space<vmem>>, vector<8x64x64xf32>
    %transpose3A = tpu.transpose %get3A_2, [0, 2, 1] : vector<8x64x64xf32> -> vector<8x64x64xf32>
    %swap3A = arith.constant 0 : index
    %swap3A_3 = arith.constant 0 : index
    %swap3A_4 = arith.constant 0 : index
    %swap3A_5 = vector.load %arg2[%swap3A, %swap3A_3, %swap3A_4] : memref<8x64x64xf32, #tpu.memory_space<vmem>>, vector<8x64x64xf32>
    tpu.vector_store %arg2[%swap3A, %swap3A_3, %swap3A_4], %transpose3A {strides = array<i32>} : memref<8x64x64xf32, #tpu.memory_space<vmem>>, vector<8x64x64xf32>,
    return
  }
  func.func @transform_0(%arg0: i32) -> (i32, i32, i32) {
    %c0_i32 = arith.constant 0 : i32
    %c0_i32_0 = arith.constant 0 : i32
    %c0_i32_1 = arith.constant 0 : i32
    return %arg0, %c0_i32, %c0_i32_0 : i32, i32, i32
  }
  func.func @transform_1(%arg0: i32) -> (i32, i32, i32) {
    %c0_i32 = arith.constant 0 : i32
    %c0_i32_0 = arith.constant 0 : i32
    %c0_i32_1 = arith.constant 0 : i32
    return %arg0, %c0_i32, %c0_i32_0 : i32, i32, i32
  }
}

</mosaic_0001>

<sc_bundles>
// kernel: kernel.4.cloned.1.call-start
scs
__scs_entry_jumppad:
0x0: {  	(pc) =	sbr.rel $0x88, $3  }
0x1: {  	(tag) =	ssettag $0x0;
	lr =	simm.s32 $0x1  }
0x2: {  	[smem:$0x3F9E] =	sst lr;
	_ =	strace $0xD0000000  }
0x3: {  	_ = 	snop  }
0x4: {  	_ = 	snop  }
0x5: {  	_ = 	snop  }
0x6: {  	_ = 	snop  }
0x7: {  	_ = 	snop  }
__scs_overlays_trampoline_lowered:
0x8: {  	[smem:$0x3FAD] =	sst s0  }
0x9: {  	[smem:$0x3FAE] =	sst s1  }
0xa: {  	[smem:$0x3FAF] =	sst s2  }
0xb: {  	[smem:$0x3FB0] =	sst s3  }
0xc: {  	[smem:$0x3FB1] =	sst s4  }
0xd: {  	[smem:$0x3FB2] =	sst s5  }
0xe: {  	[smem:$0x3FB3] =	sst s6  }
0xf: {  	[smem:$0x3FB4] =	sst s7  }
0x10: {  	[smem:$0x3FB5] =	sst s8  }
0x11: {  	[smem:$0x3FB6] =	sst s9;
	s0 =	simm.s32 @!p0 $0x0  }
0x12: {  	s1 =	sld [smem:$0x3F9C];
	s0 =	simm.s32 @p0 $0x1  }
0x13: {  	[smem:$0x3FB7] =	sst s0;
	s0 =	simm.s32 @!p1 $0x0  }
0x14: {  	s2 =	sld [smem:$0x3F9B];
	s0 =	simm.s32 @p1 $0x1  }
0x15: {  	[smem:$0x3FB8] =	sst s0;
	s0 =	simm.s32 @!p2 $0x0  }
0x16: {  	s3 =	sld [smem:$0x3FDB];
	s0 =	simm.s32 @p2 $0x1  }
0x17: {  	s4 =	simm.s32 $0x1BF5;
	[smem:$0x3FBA] =	sst s0  }
0x18: {  	s0 =	sld [smem:$0x3F9D];
	_ =	swait.ge [sflag:s4], $0x0  }
0x19: {  	s7 =	sld [smem:$0x3F9E]  }
0x1a: {  	s8 =	sadd.s32 $0xFFFFE003, lr  }
0x1b: {  	s9 =	sadd.s32 $0xFFFFFEF7, lr;
	s5 =	simm.s32 $0xFFFFFFFF;
	p2 =	slt.u32 s8, $0xFFFFF086  }
0x1c: {  	p1 =	slt.u32 s9, $0xF7A;
	s5 =	simm.s32 @!p2 $0x0  }
0x1d: {  	s5 =	simm.s32 @p1 $0x1;
	p0 =	seq.s32 s7, s2  }
0x1e: {  	s7 =	smul.u32 @!p0 $0xF7A, s2;
	p2 =	seq.s32 @!p0 s5, $0x0  }
0x1f: {  	s9 =	smul.u32 $0xF7A, s1;
	s8 =	simm.s32 @!p0 $0x1BF5;
	p2 =	por !p2, p0  }
0x20: {  	[sflag:s8] =	ssyncset.s32 @!p0 $0xFFFFF086;
	s6 =	sadd.s32 @!p0 s3, s7;
	s7 =	simm.s32 @!p0 $0x108  }
0x21: {  	s3 =	sadd.s32 s3, s9;
	s6 =	sadd.s32 @!p0 $0x88, s6;
	s7 =	simm.s32 @p2 $0x1082  }
0x22: {  	[simem:s7], [sflag:s8] =	dma.local @!p0 [hbm:s6], $0xF7A  }
0x23: {  	s9 =	sor.u32 $0xD0000000, s2;
	s6 =	simm.s32 $0x108;
	_ =	swait.ge @!p0 [sflag:s8], $0x0  }
0x24: {  	s3 =	sadd.s32 $0x88, s3;
	s6 =	simm.s32 @!p1 $0x1082;
	[sflag:s4] =	ssyncset.s32 $0xFFFFF086  }
0x25: {  	[simem:s6], [sflag:s4] =	dma.local [hbm:s3], $0xF7A  }
0x26: {  	[smem:$0x3F9E] =	sst s1;
	(tag) =	ssettag s2;
	_ =	strace s9  }
0x27: {  	s1 =	sld [smem:$0x3FAE]  }
0x28: {  	s2 =	sld [smem:$0x3FAF]  }
0x29: {  	s4 =	sld [smem:$0x3FB1]  }
0x2a: {  	p0 =	seq.s32 s5, $0x0;
	s5 =	sld [smem:$0x3FB2]  }
0x2b: {  	s6 =	sld [smem:$0x3FB3]  }
0x2c: {  	s7 =	sld [smem:$0x3FB4]  }
0x2d: {  	s3 =	simm.s32 $0x108;
	s8 =	sld [smem:$0x3FB5]  }
0x2e: {  	s3 =	simm.s32 @!p0 $0x1082;
	s9 =	sld [smem:$0x3FB6]  }
0x2f: {  	lr =	sadd.s32 s0, s3;
	s0 =	sld [smem:$0x3FAD]  }
0x30: {  	s3 =	sld [smem:$0x3FB0]  }
0x31: {  	[smem:$0x3FB9] =	sst s10  }
0x32: {  	s10 =	sld [smem:$0x3FB7];
	_ =	sdelay $0x3  }
0x33: {  	p0 =	seq.s32 s10, $0x1;
	s10 =	sld [smem:$0x3FB9];
	_ =	sdelay $0x3  }
0x34: {  	[smem:$0x3FB9] =	sst s10  }
0x35: {  	s10 =	sld [smem:$0x3FB8];
	_ =	sdelay $0x3  }
0x36: {  	p1 =	seq.s32 s10, $0x1;
	s10 =	sld [smem:$0x3FB9];
	_ =	sdelay $0x3  }
0x37: {  	[smem:$0x3FB9] =	sst s10  }
0x38: {  	s10 =	sld [smem:$0x3FBA]  }
0x39: {  	_ = 	snop;
	(pc) =	sbr.ind lr, $3  }
0x3a: {  	_ = 	snop  }
0x3b: {  	_ = 	snop  }
0x3c: {  	p2 =	seq.s32 s10, $0x1;
	s10 =	sld [smem:$0x3FB9]  }
0x3d: {  	_ =	shalt  }
0x3e: {  	_ =	shalt  }
0x3f: {  	_ =	shalt  }
0x40: {  	_ =	shalt  }
0x41: {  	_ =	shalt  }
0x42: {  	_ =	shalt  }
0x43: {  	_ =	shalt  }
0x44: {  	_ =	shalt  }
0x45: {  	_ =	shalt  }
0x46: {  	_ =	shalt  }
0x47: {  	_ =	shalt  }
0x48: {  	_ =	shalt  }
0x49: {  	_ =	shalt  }
0x4a: {  	_ =	shalt  }
0x4b: {  	_ =	shalt  }
0x4c: {  	_ =	shalt  }
0x4d: {  	_ =	shalt  }
0x4e: {  	_ =	shalt  }
0x4f: {  	_ =	shalt  }
0x50: {  	_ =	shalt  }
0x51: {  	_ =	shalt  }
0x52: {  	_ =	shalt  }
0x53: {  	_ =	shalt  }
0x54: {  	_ =	shalt  }
0x55: {  	_ =	shalt  }
0x56: {  	_ =	shalt  }
0x57: {  	_ =	shalt  }
0x58: {  	_ =	shalt  }
0x59: {  	_ =	shalt  }
0x5a: {  	_ =	shalt  }
0x5b: {  	_ =	shalt  }
0x5c: {  	_ =	shalt  }
0x5d: {  	_ =	shalt  }
0x5e: {  	_ =	shalt  }
0x5f: {  	_ =	shalt  }
0x60: {  	_ =	shalt  }
0x61: {  	_ =	shalt  }
0x62: {  	_ =	shalt  }
0x63: {  	_ =	shalt  }
0x64: {  	_ =	shalt  }
0x65: {  	_ =	shalt  }
0x66: {  	_ =	shalt  }
0x67: {  	_ =	shalt  }
0x68: {  	_ =	shalt  }
0x69: {  	_ =	shalt  }
0x6a: {  	_ =	shalt  }
0x6b: {  	_ =	shalt  }
0x6c: {  	_ =	shalt  }
0x6d: {  	_ =	shalt  }
0x6e: {  	_ =	shalt  }
0x6f: {  	_ =	shalt  }
0x70: {  	_ =	shalt  }
0x71: {  	_ =	shalt  }
0x72: {  	_ =	shalt  }
0x73: {  	_ =	shalt  }
0x74: {  	_ =	shalt  }
0x75: {  	_ =	shalt  }
0x76: {  	_ =	shalt  }
0x77: {  	_ =	shalt  }
0x78: {  	_ =	shalt  }
0x79: {  	_ =	shalt  }
0x7a: {  	_ =	shalt  }
0x7b: {  	_ =	shalt  }
0x7c: {  	_ =	shalt  }
0x7d: {  	_ =	shalt  }
0x7e: {  	_ =	shalt  }
0x7f: {  	_ =	shalt  }
0x80: {  	_ =	shalt  }
0x81: {  	_ =	shalt  }
0x82: {  	_ =	shalt  }
0x83: {  	_ =	shalt  }
0x84: {  	_ =	shalt  }
0x85: {  	_ =	shalt  }
0x86: {  	_ =	shalt  }
0x87: {  	_ =	shalt  }
.Lfunc_end0:
.L_simem_size_0:
called_computation_lowered:
.L_overlay_start_0:
0x88: {  	s2 =	sld [smem:$0x3FD9]  }
0x89: {  	s3 =	sld [smem:$0x3FFE];
	_ =	sdelay $0x1  }
0x8a: {  	s1 =	srdreg.scid  }
0x8b: {  	s0 =	sand.u32 $0x1, s1  }
0x8c: {  	s17 =	sshll.u32 s0, $0xA;
	s2 =	sadd.s32 s3, s2  }
0x8d: {  	s2 =	sadd.s32 s2, s17  }
0x8e: {  	[smem:$0x3FC5] =	sst s2  }
0x8f: {  	_ = 	snop  }
0x90: {  	s2 =	sld [smem:$0x3FC8]  }
0x91: {  	s18 =	sld [smem:$0x3FC7];
	(tm) =	ssettm $0x1  }
0x92: {  	s4 =	sld [smem:$0x3FFB];
	_ =	sdelay $0x3  }
0x93: {  	_ =	strace s4  }
0x94: {  	s4 =	sld [smem:$0x3FFC];
	_ =	sdelay $0x3  }
0x95: {  	_ =	strace s4  }
0x96: {  	s4 =	sld [smem:$0x3FFD];
	_ =	sdelay $0x3  }
0x97: {  	_ =	strace s4  }
0x98: {  	_ =	strace $0x8FFFFFFF  }
0x99: {  	s19 =	sld [smem:$0x3FDB];
	_ =	sdelay $0x1  }
0x9a: {  	s5 =	simm.s32 $_scs_section_size  }
0x9b: {  	s6 =	simm.s32 $_size__tile_overlayer_lowered;
	s7 =	simm.s32 $_tile_overlayer_lowered  }
0x9c: {  	s22 =	simm.s32 $0x1BFF;
	s21 =	sshll.u32 s7, $0x1;
	s4 =	sadd.s32 s5, s19  }
0x9d: {  	s8 =	simm.s32 $0x0;
	s20 =	sshll.u32 s6, $0x1;
	s6 =	sadd.s32 s21, s4  }
0x9e: {  	[timem:s8], [sflag:s22] =	dma.local [hbm:s6], s20  }
0x9f: {  	_ =	swait.ge [sflag:s22], s20  }
0xa0: {  	s5 =	ssub.s32 $0x0, s20;
	[sflag:s22] =	ssyncset.done $0x0  }
0xa1: {  	[sflag:s22] =	ssyncadd.s32 s5;
	_ =	sdelay $0x1  }
0xa2: {  	s23 =	simm.s32 $0x1B8B  }
0xa3: {  	_ =	swait.ge [sflag:s23], $0x1  }
0xa4: {  	[sflag:s23] =	ssyncset.done $0x0  }
0xa5: {  	s25 =	simm.s32 $0x1B8E;
	s24 =	sld [smem:$0x3FFE];
	[sflag:s23] =	ssyncadd.s32 $0xFFFFFFFF  }
0xa6: {  	s26 =	simm.s32 $execute0_lowered;
	[smem:$0x3FD2] =	sst s25  }
0xa7: {  	s6 =	sshll.u32 s26, $0x1;
	_ =	strace $0x80000046;
	[dreg:$0x1] =	wrdreg $0xFFFFFFFF  }
0xa8: {  	s28 =	simm.s32 $_size_execute0_lowered;
	s4 =	sadd.s32 s4, s6;
	[dreg:$0x0] =	wrdreg $0x0  }
0xa9: {  	s6 =	sshll.u32 s28, $0x1;
	[dreg:$0x2] =	wrdreg s4  }
0xaa: {  	[dreg:$0x3] =	wrdreg s6  }
0xab: {  	[dreg:$0x4] =	wrdreg $0xC0  }
0xac: {  	_ =	task [dreg:s8], $0x5FFFF  }
0xad: {  	[dreg:$0x1] =	wrdreg $0xFFFFFFFF  }
0xae: {  	[dreg:$0x0] =	wrdreg $0x60  }
0xaf: {  	[dreg:$0x2] =	wrdreg s24  }
0xb0: {  	[dreg:$0x3] =	wrdreg s2  }
0xb1: {  	[dreg:$0x4] =	wrdreg s18  }
0xb2: {  	[dreg:$0x5] =	wrdreg $0x9  }
0xb3: {  	_ =	task.clear_ibuf [dreg:s8], $0x6FFFF;
	_ =	strace $0x90000046  }
0xb4: {  	s29 =	simm.s32 $0x9;
	_ =	strace $0x80000048  }
0xb5: {  	_ =	swait.ge [sflag:s29], $0x1  }
0xb6: {  	[sflag:s29] =	ssyncadd.s32 $0xFFFFFFFF  }
0xb7: {  	_ =	strace $0x90000048  }
0xb8: {  	_ =	sfence  }
0xb9: {  	s30 =	sld [smem:$0x0];
	_ =	sdelay $0x2  }
0xba: {  	s31 =	sshll.u32 s1, $0xD;
	s1 =	sshrl.u32 s1, $0x2  }
0xbb: {  	s3 =	sand.u32 $0x4000, s31;
	s1 =	sadd.s32 s1, s30  }
0xbc: {  	s0 =	sor.u32 s3, s0;
	s1 =	sshll.u32 s1, $0x11  }
0xbd: {  	s0 =	sor.u32 s1, s0  }
0xbe: {  	s0 =	sadd.s32 $0x8F2B, s0  }
0xbf: {  	[sflag:s0] =	ssyncadd.remote.s32 $0x1  }
0xc0: {  	_ =	sfence.sel $0xFFFF  }
0xc1: {  	[dreg:$0x0] =	wrdreg $0xFFFFFFFF;
	(pc) =	sbr.abs _section_cstart, $3  }
0xc2: {  	[dreg:$0x1] =	wrdreg $0xFFFFFFFF  }
0xc3: {  	_ =	task.clear_ibuf [dreg:s8], $0x2FFFF;
	_ =	strace $0x9FFFFFFF  }
0xc4: {  	(tm) =	ssettm $0x7FFFFFFF  }
0xc5: {  	_ =	shalt  }
tec
execute0_lowered:
.L_overlay_start_1:
0x0: {  	(tag) =	ssettag $0x1  }
0x1: {  	s1 =	rddreg [dreg:$0x0]  }
0x2: {  	s3 =	rddreg [dreg:$0x1];
	s0 =	srdreg.scid  }
0x3: {  	s2 =	stileid.u32;
	s4 =	rddreg [dreg:$0x2]  }
0x4: {  	s5 =	simm.s32 $0x0;
	s28 =	simm.s32 $0x4000;
	s31 =	simm.s32 $0x6000  }
0x5: {  	s30 =	simm.s32 $0x5;
	s0 =	sand.u32 $0x1, s0;
	s2 =	sshll.u32 s2, $0x1  }
0x6: {  	s29 =	simm.s32 $0x0;
	s2 =	sor.u32 s0, s2;
	s0 =	ssub.s32 $0x2, s0  }
0x7: {  	[smem:$0x7FF] =	sst s5;
	s6 =	sshll.u32 s2, $0x4;
	s20 =	sshrl.u32 s0, $0x1  }
0x8: {  	s8 =	sadd.s32 s6, s1;
	s6 =	sshll.u32 s2, $0x13;
	s2 =	sshll.u32 s2, $0x10  }
0x9: {  	_ =	strace $0x80000047;
	s0 =	ssub.s32 s0, s20;
	s7 =	sadd.s32 s1, s2  }
0xa: {  	s9 =	sadd.s32 s4, s2;
	s21 =	sor.u32 $0x10, s2;
	s10 =	sadd.s32 s3, s2  }
0xb: {  	s25 =	sor.u32 $0x20, s2;
	s2 =	sor.u32 $0x30, s2;
	s19 =	sadd.s32 $0x200000, s8  }
0xc: {  	s20 =	smax.u32 s0, $0x1;
	s0 =	simm.s32 $0x16000;
	[dreg:$0x4] =	wrdreg s9  }
0xd: {  	[dreg:$0x5] =	wrdreg s10;
	s22 =	sadd.s32 $0x400, s7;
	s23 =	sadd.s32 s4, s21  }
0xe: {  	s9 =	sadd.s32 s3, s21;
	s24 =	sadd.s32 $0x800, s7;
	[dreg:$0x6] =	wrdreg s22  }
0xf: {  	s26 =	sadd.s32 s4, s25;
	s16 =	sadd.s32 $0xC00, s7;
	[dreg:$0x7] =	wrdreg s23  }
.Ltmp0:
0x10: {  	s17 =	sadd.s32 s4, s2;
	[dreg:$0x8] =	wrdreg s9;
	(pc) =	sbr.rel .LBB2_1-.Ltmp0, $4  }
0x11: {  	s18 =	sadd.s32 s3, s2;
	s21 =	simm.s32 $0x80;
	[dreg:$0x9] =	wrdreg s24  }
0x12: {  	s2 =	simm.s32 $0xE000;
	[dreg:$0xa] =	wrdreg s26;
	s9 =	sadd.s32 s3, s25  }
0x13: {  	s22 =	simm.s32 $0x2000;
	s23 =	simm.s32 $0x1;
	s24 =	simm.s32 $0x2  }
0x14: {  	s25 =	simm.s32 $0x3;
	s26 =	simm.s32 $0x4;
	[dreg:$0xb] =	wrdreg s9  }
.LBB2_12:
0x15: {  	v2 =	vadd.f32 v2, v3;
	v0 =	vadd.f32 v0, v1;
	_ =	sdelay $0x1  }
0x16: {  	v0 =	vadd.f32 v0, v2;
	_ =	sdelay $0x1  }
0x17: {  	s29 =	sadd.s32 $0x1, s29;
	v0 =	vmul.f32 $1.192092900e-07, v0  }
0x18: {  	p0 =	sne.s32 s29, s20  }
.Ltmp1:
0x19: {  	s8 =	simm.s32 $0x18000;
	[tilespmem:$0x18000] =	vst v0;
	(pc) =	sbr.rel @!p0 .LBB2_13-.Ltmp1, $4  }
0x1a: {  	[hbm4b:s19+s5] =	stream.linear.scatter [tilespmem:s8], [sflag:$0x5], $0x80, $0x38;
	[tilespmem:$0x18080] =	vst v63  }
0x1b: {  	_ =	swait.ge [sflag:s30], $0x80  }
0x1c: {  	[sflag:s30] =	ssyncset.done $0x0  }
0x1d: {  	[sflag:s30] =	ssyncadd.s32 $0xFFFFFF80  }
.LBB2_1:
0x1e: {  	[tilespmem:s5], [sflag:$0x1] =	stream.linear.gather [hbm4b:s7+s5], $0x2000, $0x38;
	[tilespmem:$0x18080] =	vst v63  }
0x1f: {  	s8 =	rddreg [dreg:$0x4];
	s9 =	simm.s32 $0x8000  }
0x20: {  	[tilespmem:s9], [sflag:$0x1] =	stream.strided.gather [hbm4b:s8+s21], $0x2000, s22, s21, $0x38;
	[tilespmem:$0x18080] =	vst v63  }
0x21: {  	s11 =	rddreg [dreg:$0x5];
	s12 =	simm.s32 $0x10000  }
0x22: {  	[tilespmem:s12], [sflag:$0x1] =	stream.strided.gather [hbm4b:s11+s21], $0x2000, s22, s21, $0x38;
	[tilespmem:$0x18080] =	vst v63  }
0x23: {  	s13 =	rddreg [dreg:$0x6]  }
0x24: {  	[tilespmem:s22], [sflag:$0x2] =	stream.linear.gather [hbm4b:s13+s5], $0x2000, $0x38;
	[tilespmem:$0x18080] =	vst v63  }
0x25: {  	s14 =	rddreg [dreg:$0x7];
	s15 =	simm.s32 $0xA000  }
0x26: {  	[tilespmem:s15], [sflag:$0x2] =	stream.strided.gather [hbm4b:s14+s21], $0x2000, s22, s21, $0x38;
	[tilespmem:$0x18080] =	vst v63  }
0x27: {  	s10 =	simm.s32 $0x12000;
	s9 =	rddreg [dreg:$0x8]  }
0x28: {  	[tilespmem:s10], [sflag:$0x2] =	stream.strided.gather [hbm4b:s9+s21], $0x2000, s22, s21, $0x38;
	[tilespmem:$0x18080] =	vst v63  }
0x29: {  	s11 =	rddreg [dreg:$0x9]  }
0x2a: {  	[tilespmem:s28], [sflag:$0x3] =	stream.linear.gather [hbm4b:s11+s5], $0x2000, $0x38;
	[tilespmem:$0x18080] =	vst v63  }
0x2b: {  	s12 =	rddreg [dreg:$0xa];
	s13 =	simm.s32 $0xC000  }
0x2c: {  	[tilespmem:s13], [sflag:$0x3] =	stream.strided.gather [hbm4b:s12+s21], $0x2000, s22, s21, $0x38;
	[tilespmem:$0x18080] =	vst v63  }
0x2d: {  	s14 =	rddreg [dreg:$0xb];
	s15 =	simm.s32 $0x14000  }
0x2e: {  	[tilespmem:s15], [sflag:$0x3] =	stream.strided.gather [hbm4b:s14+s21], $0x2000, s22, s21, $0x38;
	[tilespmem:$0x18080] =	vst v63  }
0x2f: {  	_ = 	snop  }
0x30: {  	[tilespmem:s31], [sflag:$0x4] =	stream.linear.gather [hbm4b:s16+s5], $0x2000, $0x38;
	[tilespmem:$0x18080] =	vst v63  }
0x31: {  	_ = 	snop  }
0x32: {  	[tilespmem:s2], [sflag:$0x4] =	stream.strided.gather [hbm4b:s17+s21], $0x2000, s22, s21, $0x38;
	[tilespmem:$0x18080] =	vst v63  }
0x33: {  	v0 =	vimm.f32 $0.0e+00;
	s8 =	simm.s32 $0x0  }
0x34: {  	v1 =	vimm.f32 $0.0e+00;
	v2 =	vimm.f32 $0.0e+00;
	v3 =	vimm.f32 $0.0e+00;
	[tilespmem:s0], [sflag:$0x4] =	stream.strided.gather [hbm4b:s18+s21], $0x2000, s22, s21, $0x38;
	[tilespmem:$0x18080] =	vst v63  }
.LBB2_2:
0x35: {  	_ =	swait.ge [sflag:s23], $0x2000  }
0x36: {  	[sflag:s23] =	ssyncset.done $0x0  }
0x37: {  	[sflag:s23] =	ssyncadd.s32 $0xFFFFE000  }
0x38: {  	_ =	swait.ge [sflag:s23], $0x2000  }
0x39: {  	[sflag:s23] =	ssyncset.done $0x0  }
0x3a: {  	[sflag:s23] =	ssyncadd.s32 $0xFFFFE000  }
0x3b: {  	_ =	swait.ge [sflag:s23], $0x2000  }
0x3c: {  	[sflag:s23] =	ssyncset.done $0x0  }
0x3d: {  	s10 =	simm.s32 $0x10100;
	[sflag:s23] =	ssyncadd.s32 $0xFFFFE000  }
0x3e: {  	v5 =	vld [tilespmem:s10+$0x80]  }
0x3f: {  	v6 =	vld [tilespmem:s10+$0x90]  }
0x40: {  	v9 =	vld [tilespmem:s10+$0xA0]  }
0x41: {  	v7 =	vld [tilespmem:s10+$0xB0]  }
0x42: {  	v11 =	vld [tilespmem:s10+$0x0]  }
0x43: {  	v10 =	vld [tilespmem:s10+$0x10]  }
0x44: {  	v13 =	vld [tilespmem:s10+$0x20]  }
0x45: {  	v12 =	vld [tilespmem:s10+$0x30]  }
0x46: {  	v15 =	vld [tilespmem:s10+$0xFFFFFF80]  }
0x47: {  	v14 =	vld [tilespmem:s10+$0xFFFFFF90]  }
0x48: {  	s9 =	simm.s32 $0x8100;
	v8 =	vld [tilespmem:s10+$0xFFFFFFA0]  }
0x49: {  	v4 =	vld [tilespmem:s9+$0x80]  }
0x4a: {  	v17 =	vld [tilespmem:s9+$0x90]  }
0x4b: {  	v18 =	vld [tilespmem:s9+$0xA0]  }
0x4c: {  	v19 =	vld [tilespmem:s9+$0xB0]  }
0x4d: {  	v20 =	vld [tilespmem:s9+$0x0]  }
0x4e: {  	v21 =	vld [tilespmem:s9+$0x10]  }
0x4f: {  	v22 =	vld [tilespmem:s9+$0x20]  }
0x50: {  	v24 =	vld [tilespmem:s9+$0x30]  }
0x51: {  	v16 =	vld [tilespmem:s10+$0xFFFFFF00]  }
0x52: {  	v26 =	vld [tilespmem:s9+$0xFFFFFF80];
	v27 =	vand.u32 $0x7F, v4;
	v30 =	vand.u32 $0x7F, v17;
	v31 =	vand.u32 $0x7F, v18  }
0x53: {  	v32 =	vld [tilespmem:s9+$0xFFFFFF90];
	v4 =	vand.u32 $0xFFFFFF80, v4;
	v28 =	vand.u32 $0xFFFFFF80, v17;
	v35 =	vand.u32 $0x7F, v19  }
0x54: {  	v36 =	vld [tilespmem:s9+$0xFFFFFFA0];
	v38 =	vand.u32 $0x7F, v20;
	v33 =	vand.u32 $0xFFFFFF80, v18;
	v37 =	vand.u32 $0xFFFFFF80, v19  }
0x55: {  	v29 =	vld [tilespmem:s9+$0xFFFFFF00];
	v39 =	vand.u32 $0x7F, v21;
	v40 =	vand.u32 $0x7F, v22;
	v23 =	vand.u32 $0x7F, v24  }
0x56: {  	s11 =	simm.s32 $0x180;
	v17 =	vld [tilespmem:s10+$0xFFFFFF10];
	v20 =	vand.u32 $0xFFFFFF80, v20;
	v21 =	vand.u32 $0xFFFFFF80, v21;
	v41 =	vand.u32 $0xFFFFFF80, v22  }
0x57: {  	v18 =	vld [tilespmem:s10+$0xFFFFFF20];
	v25 =	vand.u32 $0x7F, v26;
	v42 =	vand.u32 $0xFFFFFF80, v24;
	v4 =	vadd.s32 s11, v4  }
0x58: {  	s14 =	simm.s32 $0x100;
	v19 =	vld [tilespmem:s10+$0xFFFFFF30];
	v24 =	vand.u32 $0x7F, v32;
	v22 =	vadd.s32 s11, v28;
	v43 =	vor.u32 v27, v4  }
0x59: {  	v28 =	vld [tilespmem:s9+$0xFFFFFF10];
	v20 =	vadd.s32 s14, v20;
	v44 =	vor.u32 v30, v22;
	v22 =	vadd.s32 s11, v33  }
0x5a: {  	v27 =	vld [tilespmem:s9+$0xFFFFFF20];
	v33 =	vand.u32 $0xFFFFFF80, v26;
	v26 =	vadd.s32 s11, v37;
	v34 =	vor.u32 v31, v22  }
0x5b: {  	v4 =	vand.u32 $0x7F, v36;
	v30 =	vld [tilespmem:s9+$0xFFFFFF30];
	v31 =	vand.u32 $0xFFFFFF80, v32;
	v37 =	vor.u32 v35, v26  }
0x5c: {  	v22 =	vld [tilespmem:s9+$0xFFFFFFB0];
	v26 =	vand.u32 $0xFFFFFF80, v36;
	v35 =	vor.u32 v38, v20;
	v20 =	vadd.s32 s14, v21  }
0x5d: {  	v38 =	vand.u32 $0x7F, v29;
	v21 =	vadd.s32 s14, v41;
	v32 =	vor.u32 v39, v20;
	v20 =	vld.idx.msk [tilespmem:v43+s5+$0x0], $0xffff  }
0x5e: {  	s12 =	simm.s32 $0x0;
	s13 =	simm.s32 $0x80;
	s11 =	simm.s32 $0x4;
	v36 =	vor.u32 v40, v21;
	v40 =	vadd.s32 s14, v42;
	v39 =	vand.u32 $0x7F, v28;
	v21 =	vld.idx.msk [tilespmem:v44+s5+$0x0], $0xffff  }
.LBB2_3:
0x5f: {  	p0 =	slt.u32 s11, $0x3C;
	v41 =	vand.u32 $0x7F, v27;
	v33 =	vadd.s32 s13, v33;
	v23 =	vor.u32 v23, v40;
	v34 =	vld.idx.msk [tilespmem:v34+s5+$0x0], $0xffff  }
0x60: {  	v29 =	vand.u32 $0xFFFFFF80, v29;
	v31 =	vadd.s32 s13, v31;
	v25 =	vor.u32 v25, v33;
	v33 =	vld.idx.msk [tilespmem:v37+s5+$0x0], $0xffff  }
0x61: {  	v28 =	vand.u32 $0xFFFFFF80, v28;
	v29 =	vadd.s32 s12, v29;
	v24 =	vor.u32 v24, v31;
	v31 =	vld.idx.msk [tilespmem:v35+s5+$0x0], $0xffff  }
0x62: {  	v27 =	vand.u32 $0xFFFFFF80, v27;
	v28 =	vadd.s32 s12, v28;
	v29 =	vor.u32 v38, v29;
	v32 =	vld.idx.msk [tilespmem:v32+s5+$0x0], $0xffff  }
0x63: {  	v27 =	vadd.s32 s12, v27;
	v28 =	vor.u32 v39, v28;
	v35 =	vand.u32 $0xFFFFFF80, v30;
	v36 =	vld.idx.msk [tilespmem:v36+s5+$0x0], $0xffff  }
0x64: {  	v27 =	vor.u32 v41, v27;
	v30 =	vand.u32 $0x7F, v30;
	v35 =	vadd.s32 s12, v35;
	v23 =	vld.idx.msk [tilespmem:v23+s5+$0x0], $0xffff  }
0x65: {  	v26 =	vadd.s32 s13, v26;
	v30 =	vor.u32 v30, v35;
	v35 =	vand.u32 $0xFFFFFF80, v22;
	v25 =	vld.idx.msk [tilespmem:v25+s5+$0x0], $0xffff  }
0x66: {  	v4 =	vor.u32 v4, v26;
	v22 =	vand.u32 $0x7F, v22;
	v26 =	vadd.s32 s13, v35;
	v24 =	vld.idx.msk [tilespmem:v24+s5+$0x0], $0xffff  }
0x67: {  	v22 =	vor.u32 v22, v26;
	v29 =	vld.idx.msk [tilespmem:v29+s5+$0x0], $0xffff  }
0x68: {  	v20 =	vsub.f32 v20, v5;
	v26 =	vld.idx.msk [tilespmem:v28+s5+$0x0], $0xffff  }
0x69: {  	v6 =	vsub.f32 v21, v6;
	v21 =	vsub.f32 v34, v9;
	v27 =	vld.idx.msk [tilespmem:v27+s5+$0x0], $0xffff  }
0x6a: {  	v9 =	vsub.f32 v31, v11;
	v28 =	vld.idx.msk [tilespmem:v30+s5+$0x0], $0xffff;
	v30 =	vsub.f32 v33, v7  }
0x6b: {  	v31 =	vsub.f32 v36, v13;
	v7 =	vsub.f32 v32, v10;
	v4 =	vld.idx.msk [tilespmem:v4+s5+$0x0], $0xffff  }
0x6c: {  	v10 =	vsub.f32 v25, v15;
	v13 =	vld.idx.msk [tilespmem:v22+s5+$0x0], $0xffff;
	v22 =	vsub.f32 v23, v12  }
0x6d: {  	v11 =	vsub.f32 v29, v16;
	v12 =	vsub.f32 v24, v14;
	v14 =	vld [tilespmem:s10+$0xFFFFFFB0];
	s10 =	sadd.s32 $0x200, s10  }
0x6e: {  	v16 =	vmul.f32 v20, v20;
	v15 =	vsub.f32 v26, v17;
	v17 =	vmul.f32 v6, v6;
	v5 =	vld [tilespmem:s10+$0x80]  }
0x6f: {  	v20 =	vmul.f32 v9, v9;
	v23 =	vmul.f32 v7, v7;
	v18 =	vsub.f32 v27, v18;
	v6 =	vld [tilespmem:s10+$0x90]  }
0x70: {  	v24 =	vmul.f32 v10, v10;
	v25 =	vmul.f32 v12, v12;
	v19 =	vsub.f32 v28, v19;
	v9 =	vld [tilespmem:s10+$0xA0]  }
0x71: {  	v12 =	vmul.f32 v11, v11;
	v15 =	vmul.f32 v15, v15;
	v4 =	vsub.f32 v4, v8;
	v7 =	vld [tilespmem:s10+$0xB0]  }
0x72: {  	v8 =	vmul.f32 v18, v18;
	v18 =	vmul.f32 v19, v19;
	v11 =	vld [tilespmem:s10+$0x0];
	v14 =	vsub.f32 v13, v14  }
0x73: {  	v3 =	vadd.f32 v12, v3;
	v2 =	vadd.f32 v15, v2;
	v4 =	vmul.f32 v4, v4;
	v10 =	vld [tilespmem:s10+$0x10]  }
0x74: {  	v1 =	vadd.f32 v8, v1;
	v0 =	vadd.f32 v18, v0;
	v13 =	vld [tilespmem:s10+$0x20];
	v8 =	vmul.f32 v14, v14  }
0x75: {  	v3 =	vadd.f32 v24, v3;
	v2 =	vadd.f32 v25, v2;
	v18 =	vmul.f32 v31, v31;
	v12 =	vld [tilespmem:s10+$0x30]  }
0x76: {  	v1 =	vadd.f32 v4, v1;
	v4 =	vmul.f32 v22, v22;
	v15 =	vld [tilespmem:s10+$0xFFFFFF80];
	v0 =	vadd.f32 v8, v0  }
0x77: {  	v19 =	vmul.f32 v21, v21;
	v3 =	vadd.f32 v20, v3;
	v2 =	vadd.f32 v23, v2;
	v14 =	vld [tilespmem:s10+$0xFFFFFF90]  }
0x78: {  	s9 =	sadd.s32 $0x200, s9;
	v1 =	vadd.f32 v18, v1;
	v8 =	vld [tilespmem:s10+$0xFFFFFFA0];
	v0 =	vadd.f32 v4, v0;
	v4 =	vmul.f32 v30, v30  }
0x79: {  	v3 =	vadd.f32 v16, v3;
	v2 =	vadd.f32 v17, v2;
	v18 =	vld [tilespmem:s9+$0x80]  }
0x7a: {  	v1 =	vadd.f32 v19, v1;
	v17 =	vld [tilespmem:s9+$0x90];
	v0 =	vadd.f32 v4, v0  }
0x7b: {  	v4 =	vld [tilespmem:s9+$0xA0]  }
0x7c: {  	v19 =	vld [tilespmem:s9+$0xB0]  }
0x7d: {  	v20 =	vld [tilespmem:s9+$0x0]  }
0x7e: {  	v21 =	vld [tilespmem:s9+$0x10]  }
0x7f: {  	v22 =	vld [tilespmem:s9+$0x20]  }
0x80: {  	v24 =	vld [tilespmem:s9+$0x30]  }
0x81: {  	v16 =	vld [tilespmem:s10+$0xFFFFFF00]  }
0x82: {  	v27 =	vand.u32 $0x7F, v18;
	v30 =	vand.u32 $0x7F, v17;
	v31 =	vand.u32 $0x7F, v4;
	v26 =	vld [tilespmem:s9+$0xFFFFFF80]  }
0x83: {  	v28 =	vand.u32 $0xFFFFFF80, v18;
	v33 =	vand.u32 $0xFFFFFF80, v17;
	v35 =	vand.u32 $0x7F, v19;
	v32 =	vld [tilespmem:s9+$0xFFFFFF90]  }
0x84: {  	v34 =	vand.u32 $0xFFFFFF80, v4;
	v37 =	vand.u32 $0xFFFFFF80, v19;
	v38 =	vand.u32 $0x7F, v20;
	v36 =	vld [tilespmem:s9+$0xFFFFFFA0]  }
0x85: {  	s12 =	sshll.u32 s11, $0x7;
	v39 =	vand.u32 $0x7F, v21;
	v40 =	vand.u32 $0x7F, v22;
	v17 =	vld [tilespmem:s10+$0xFFFFFF10];
	v23 =	vand.u32 $0x7F, v24  }
0x86: {  	s13 =	sadd.s32 $0x180, s12;
	v20 =	vand.u32 $0xFFFFFF80, v20;
	v21 =	vand.u32 $0xFFFFFF80, v21;
	v41 =	vand.u32 $0xFFFFFF80, v22;
	v18 =	vld [tilespmem:s10+$0xFFFFFF20]  }
0x87: {  	v4 =	vadd.s32 s13, v28;
	v42 =	vand.u32 $0xFFFFFF80, v24;
	v19 =	vld [tilespmem:s10+$0xFFFFFF30];
	v25 =	vand.u32 $0x7F, v26  }
0x88: {  	v43 =	vor.u32 v27, v4;
	v22 =	vadd.s32 s13, v33;
	v29 =	vld [tilespmem:s9+$0xFFFFFF00];
	v24 =	vand.u32 $0x7F, v32  }
0x89: {  	v44 =	vor.u32 v30, v22;
	v22 =	vadd.s32 s13, v34;
	v28 =	vld [tilespmem:s9+$0xFFFFFF10];
	v4 =	vand.u32 $0x7F, v36  }
.Ltmp2:
0x8a: {  	s14 =	sadd.s32 $0x100, s12;
	v34 =	vor.u32 v31, v22;
	v33 =	vand.u32 $0xFFFFFF80, v26;
	v26 =	vadd.s32 s13, v37;
	v27 =	vld [tilespmem:s9+$0xFFFFFF20];
	(pc) =	sbr.rel @p0 .LBB2_3-.Ltmp2, $4  }
0x8b: {  	v20 =	vadd.s32 s14, v20;
	v31 =	vand.u32 $0xFFFFFF80, v32;
	v37 =	vor.u32 v35, v26;
	v22 =	vld [tilespmem:s9+$0xFFFFFFB0]  }
0x8c: {  	v35 =	vor.u32 v38, v20;
	v20 =	vadd.s32 s14, v21;
	v26 =	vand.u32 $0xFFFFFF80, v36;
	v30 =	vld [tilespmem:s9+$0xFFFFFF30]  }
0x8d: {  	v21 =	vadd.s32 s14, v41;
	v32 =	vor.u32 v39, v20;
	v38 =	vand.u32 $0x7F, v29;
	v20 =	vld.idx.msk [tilespmem:v43+s5+$0x0], $0xffff  }
0x8e: {  	s11 =	sadd.s32 $0x4, s11;
	s13 =	sadd.s32 $0x80, s12;
	v36 =	vor.u32 v40, v21;
	v40 =	vadd.s32 s14, v42;
	v39 =	vand.u32 $0x7F, v28;
	v21 =	vld.idx.msk [tilespmem:v44+s5+$0x0], $0xffff  }
0x8f: {  	_ =	sdelay $0x3  }
0x90: {  	v41 =	vand.u32 $0x7F, v27;
	v33 =	vadd.s32 s13, v33;
	v23 =	vor.u32 v23, v40;
	v34 =	vld.idx.msk [tilespmem:v34+s5+$0x0], $0xffff  }
0x91: {  	v29 =	vand.u32 $0xFFFFFF80, v29;
	v31 =	vadd.s32 s13, v31;
	v49 =	vld.idx.msk [tilespmem:v37+s5+$0x0], $0xffff;
	v28 =	vand.u32 $0xFFFFFF80, v28  }
0x92: {  	v27 =	vand.u32 $0xFFFFFF80, v27;
	v32 =	vld.idx.msk [tilespmem:v32+s5+$0x0], $0xffff;
	v26 =	vadd.s32 s13, v26;
	v25 =	vor.u32 v25, v33  }
0x93: {  	v36 =	vld.idx.msk [tilespmem:v36+s5+$0x0], $0xffff;
	v29 =	vadd.s32 s12, v29;
	v24 =	vor.u32 v24, v31;
	v28 =	vadd.s32 s12, v28  }
0x94: {  	v52 =	vld [tilespmem:s10+$0xFFFFFFB0];
	v27 =	vadd.s32 s12, v27;
	v51 =	vand.u32 $0xFFFFFF80, v22;
	v29 =	vor.u32 v38, v29  }
0x95: {  	v31 =	vld.idx.msk [tilespmem:v35+s5+$0x0], $0xffff;
	v4 =	vor.u32 v4, v26;
	v22 =	vand.u32 $0x7F, v22;
	v28 =	vor.u32 v39, v28  }
0x96: {  	v50 =	vand.u32 $0xFFFFFF80, v30;
	v27 =	vor.u32 v41, v27;
	v26 =	vadd.s32 s13, v51;
	v23 =	vld.idx.msk [tilespmem:v23+s5+$0x0], $0xffff  }
0x97: {  	v30 =	vand.u32 $0x7F, v30;
	v35 =	vadd.s32 s12, v50;
	v22 =	vor.u32 v22, v26;
	v25 =	vld.idx.msk [tilespmem:v25+s5+$0x0], $0xffff  }
0x98: {  	s9 =	sshll.u32 s8, $0x2;
	p0 =	seq.s32 s8, $0xF;
	v30 =	vor.u32 v30, v35;
	v24 =	vld.idx.msk [tilespmem:v24+s5+$0x0], $0xffff  }
0x99: {  	s11 =	sadd.s32 @!p0 $0x4, s9;
	v29 =	vld.idx.msk [tilespmem:v29+s5+$0x0], $0xffff  }
0x9a: {  	s12 =	sshll.u32 @!p0 s11, $0xD;
	v26 =	vld.idx.msk [tilespmem:v28+s5+$0x0], $0xffff  }
0x9b: {  	s12 =	sadd.s32 @!p0 s6, s12;
	v27 =	vld.idx.msk [tilespmem:v27+s5+$0x0], $0xffff  }
0x9c: {  	s12 =	sshrl.u32 @!p0 s12, $0x3;
	v22 =	vld.idx.msk [tilespmem:v22+s5+$0x0], $0xffff  }
0x9d: {  	s10 =	sadd.s32 @!p0 s1, s12;
	s12 =	simm.s32 @!p0 $0x0;
	v28 =	vld.idx.msk [tilespmem:v30+s5+$0x0], $0xffff  }
0x9e: {  	v30 =	vld.idx.msk [tilespmem:v4+s5+$0x0], $0xffff;
	[tilespmem:s12], [sflag:$0x1] =	stream.linear.gather @!p0 [hbm4b:s10+s12], $0x2000, $0x38  }
0x9f: {  	s10 =	sshll.u32 @!p0 s11, $0x7  }
0xa0: {  	s10 =	sadd.s32 @!p0 s6, s10  }
0xa1: {  	s14 =	simm.s32 @!p0 $0x8000;
	s10 =	sshrl.u32 @!p0 s10, $0x3  }
0xa2: {  	s13 =	simm.s32 @!p0 $0x2000;
	s12 =	simm.s32 @!p0 $0x80;
	s11 =	sadd.s32 @!p0 s4, s10  }
0xa3: {  	[tilespmem:s14], [sflag:$0x1] =	stream.strided.gather @!p0 [hbm4b:s11+s12], $0x2000, s13, s12, $0x38;
	[tilespmem:$0x18080] =	vst v63  }
0xa4: {  	s10 =	sadd.s32 @!p0 s3, s10;
	s11 =	simm.s32 @!p0 $0x10000  }
0xa5: {  	[tilespmem:s11], [sflag:$0x1] =	stream.strided.gather @!p0 [hbm4b:s10+s12], $0x2000, s13, s12, $0x38;
	[tilespmem:$0x18080] =	vst v63  }
0xa6: {  	_ =	swait.ge [sflag:s24], $0x2000  }
0xa7: {  	[sflag:s24] =	ssyncset.done $0x0  }
0xa8: {  	[sflag:s24] =	ssyncadd.s32 $0xFFFFE000  }
0xa9: {  	_ =	swait.ge [sflag:s24], $0x2000  }
0xaa: {  	[sflag:s24] =	ssyncset.done $0x0  }
0xab: {  	[sflag:s24] =	ssyncadd.s32 $0xFFFFE000  }
0xac: {  	_ =	swait.ge [sflag:s24], $0x2000  }
0xad: {  	[sflag:s24] =	ssyncset.done $0x0  }
0xae: {  	s10 =	simm.s32 $0x12100;
	[sflag:s24] =	ssyncadd.s32 $0xFFFFE000  }
0xaf: {  	v4 =	vld [tilespmem:s10+$0x80]  }
0xb0: {  	v20 =	vsub.f32 v20, v5;
	v5 =	vld [tilespmem:s10+$0x90]  }
0xb1: {  	v21 =	vsub.f32 v21, v6;
	v6 =	vld [tilespmem:s10+$0xA0]  }
0xb2: {  	v33 =	vsub.f32 v49, v7;
	v7 =	vld [tilespmem:s10+$0xB0]  }
0xb3: {  	v34 =	vsub.f32 v34, v9;
	v32 =	vsub.f32 v32, v10;
	v9 =	vld [tilespmem:s10+$0x0]  }
0xb4: {  	v13 =	vsub.f32 v36, v13;
	v20 =	vmul.f32 v20, v20;
	v31 =	vsub.f32 v31, v11;
	v10 =	vld [tilespmem:s10+$0x10]  }
0xb5: {  	v21 =	vmul.f32 v21, v21;
	v23 =	vsub.f32 v23, v12;
	v15 =	vsub.f32 v25, v15;
	v11 =	vld [tilespmem:s10+$0x20]  }
0xb6: {  	v13 =	vmul.f32 v13, v13;
	v14 =	vsub.f32 v24, v14;
	v16 =	vsub.f32 v29, v16;
	v12 =	vld [tilespmem:s10+$0x30]  }
0xb7: {  	v24 =	vsub.f32 v26, v17;
	v25 =	vsub.f32 v27, v18;
	v26 =	vmul.f32 v31, v31;
	v17 =	vld [tilespmem:s10+$0xFFFFFF80]  }
0xb8: {  	v15 =	vmul.f32 v15, v15;
	v14 =	vmul.f32 v14, v14;
	v19 =	vsub.f32 v28, v19;
	v18 =	vld [tilespmem:s10+$0xFFFFFF90]  }
0xb9: {  	v16 =	vmul.f32 v16, v16;
	v24 =	vmul.f32 v24, v24;
	v28 =	vsub.f32 v30, v8;
	s11 =	simm.s32 $0xA100;
	v8 =	vld [tilespmem:s10+$0xFFFFFFA0]  }
0xba: {  	v22 =	vsub.f32 v22, v52;
	v25 =	vmul.f32 v25, v25;
	v19 =	vmul.f32 v19, v19;
	v29 =	vld [tilespmem:s11+$0x80]  }
0xbb: {  	v3 =	vadd.f32 v16, v3;
	v2 =	vadd.f32 v24, v2;
	v16 =	vmul.f32 v28, v28;
	v24 =	vld [tilespmem:s11+$0x90]  }
0xbc: {  	v1 =	vadd.f32 v25, v1;
	v0 =	vadd.f32 v19, v0;
	v19 =	vmul.f32 v22, v22;
	v22 =	vld [tilespmem:s11+$0xA0]  }
0xbd: {  	v27 =	vmul.f32 v32, v32;
	v3 =	vadd.f32 v15, v3;
	v2 =	vadd.f32 v14, v2;
	v25 =	vld [tilespmem:s11+$0xB0]  }
0xbe: {  	v1 =	vadd.f32 v16, v1;
	v14 =	vmul.f32 v23, v23;
	v0 =	vadd.f32 v19, v0;
	v28 =	vld [tilespmem:s11+$0x0]  }
0xbf: {  	v3 =	vadd.f32 v26, v3;
	v2 =	vadd.f32 v27, v2;
	v19 =	vmul.f32 v34, v34;
	v26 =	vld [tilespmem:s11+$0x10]  }
0xc0: {  	v1 =	vadd.f32 v13, v1;
	v0 =	vadd.f32 v14, v0;
	v14 =	vmul.f32 v33, v33;
	v27 =	vld [tilespmem:s11+$0x20]  }
0xc1: {  	v15 =	vadd.f32 v20, v3;
	v16 =	vadd.f32 v21, v2;
	v2 =	vld [tilespmem:s11+$0x30]  }
0xc2: {  	v13 =	vadd.f32 v19, v1;
	v14 =	vadd.f32 v14, v0;
	v19 =	vld [tilespmem:s10+$0xFFFFFF00]  }
0xc3: {  	v1 =	vld [tilespmem:s11+$0xFFFFFF80];
	v0 =	vand.u32 $0x7F, v29;
	v3 =	vand.u32 $0x7F, v24;
	v30 =	vand.u32 $0x7F, v22  }
0xc4: {  	v31 =	vld [tilespmem:s11+$0xFFFFFF90];
	v29 =	vand.u32 $0xFFFFFF80, v29;
	v53 =	vand.u32 $0xFFFFFF80, v24;
	v54 =	vand.u32 $0x7F, v25  }
0xc5: {  	v55 =	vld [tilespmem:s11+$0xFFFFFFA0];
	v56 =	vand.u32 $0x7F, v28;
	v57 =	vand.u32 $0xFFFFFF80, v22;
	v58 =	vand.u32 $0xFFFFFF80, v25  }
0xc6: {  	v20 =	vld [tilespmem:s10+$0xFFFFFF10];
	v59 =	vand.u32 $0x7F, v26;
	v60 =	vand.u32 $0x7F, v27;
	v23 =	vand.u32 $0x7F, v2  }
0xc7: {  	s14 =	simm.s32 $0x180;
	v21 =	vld [tilespmem:s10+$0xFFFFFF20];
	v61 =	vand.u32 $0xFFFFFF80, v28;
	v42 =	vand.u32 $0xFFFFFF80, v26;
	v43 =	vand.u32 $0xFFFFFF80, v27  }
0xc8: {  	v22 =	vld [tilespmem:s10+$0xFFFFFF30];
	v25 =	vand.u32 $0x7F, v1;
	v2 =	vand.u32 $0xFFFFFF80, v2;
	v26 =	vadd.s32 s14, v29  }
0xc9: {  	v24 =	vand.u32 $0x7F, v31;
	v28 =	vld [tilespmem:s11+$0xFFFFFF10];
	v44 =	vor.u32 v0, v26;
	v26 =	vadd.s32 s14, v53  }
0xca: {  	v33 =	vand.u32 $0xFFFFFF80, v1;
	v29 =	vld [tilespmem:s11+$0xFFFFFF00];
	v45 =	vor.u32 v3, v26;
	v3 =	vadd.s32 s14, v57  }
0xcb: {  	s15 =	simm.s32 $0x100;
	v27 =	vld [tilespmem:s11+$0xFFFFFF20];
	v31 =	vand.u32 $0xFFFFFF80, v31;
	v1 =	vadd.s32 s14, v58;
	v34 =	vor.u32 v30, v3  }
0xcc: {  	v62 =	vadd.s32 s15, v61;
	v63 =	vadd.s32 s15, v43;
	v37 =	vor.u32 v54, v1;
	v3 =	vld [tilespmem:s11+$0xFFFFFFB0]  }
0xcd: {  	v40 =	vadd.s32 s15, v2;
	v35 =	vor.u32 v56, v62;
	v1 =	vadd.s32 s15, v42;
	v30 =	vld [tilespmem:s11+$0xFFFFFF30]  }
0xce: {  	v0 =	vand.u32 $0x7F, v55;
	v36 =	vor.u32 v60, v63;
	v32 =	vor.u32 v59, v1;
	v1 =	vld.idx.msk [tilespmem:v44+s22+$0x0], $0xffff  }
0xcf: {  	s13 =	simm.s32 $0x0;
	s12 =	simm.s32 $0x4;
	v26 =	vand.u32 $0xFFFFFF80, v55;
	s14 =	simm.s32 $0x80;
	v39 =	vand.u32 $0x7F, v28;
	v38 =	vand.u32 $0x7F, v29;
	v2 =	vld.idx.msk [tilespmem:v45+s22+$0x0], $0xffff  }
.LBB2_5:
0xd0: {  	p1 =	slt.u32 s12, $0x3C;
	v41 =	vand.u32 $0x7F, v27;
	v33 =	vadd.s32 s14, v33;
	v23 =	vor.u32 v23, v40;
	v34 =	vld.idx.msk [tilespmem:v34+s22+$0x0], $0xffff  }
0xd1: {  	v29 =	vand.u32 $0xFFFFFF80, v29;
	v31 =	vadd.s32 s14, v31;
	v25 =	vor.u32 v25, v33;
	v33 =	vld.idx.msk [tilespmem:v37+s22+$0x0], $0xffff  }
0xd2: {  	v28 =	vand.u32 $0xFFFFFF80, v28;
	v29 =	vadd.s32 s13, v29;
	v24 =	vor.u32 v24, v31;
	v31 =	vld.idx.msk [tilespmem:v35+s22+$0x0], $0xffff  }
0xd3: {  	v27 =	vand.u32 $0xFFFFFF80, v27;
	v28 =	vadd.s32 s13, v28;
	v29 =	vor.u32 v38, v29;
	v32 =	vld.idx.msk [tilespmem:v32+s22+$0x0], $0xffff  }
0xd4: {  	v27 =	vadd.s32 s13, v27;
	v28 =	vor.u32 v39, v28;
	v35 =	vand.u32 $0xFFFFFF80, v30;
	v36 =	vld.idx.msk [tilespmem:v36+s22+$0x0], $0xffff  }
0xd5: {  	v27 =	vor.u32 v41, v27;
	v30 =	vand.u32 $0x7F, v30;
	v35 =	vadd.s32 s13, v35;
	v23 =	vld.idx.msk [tilespmem:v23+s22+$0x0], $0xffff  }
0xd6: {  	v26 =	vadd.s32 s14, v26;
	v30 =	vor.u32 v30, v35;
	v35 =	vand.u32 $0xFFFFFF80, v3;
	v25 =	vld.idx.msk [tilespmem:v25+s22+$0x0], $0xffff  }
0xd7: {  	v0 =	vor.u32 v0, v26;
	v3 =	vand.u32 $0x7F, v3;
	v26 =	vadd.s32 s14, v35;
	v24 =	vld.idx.msk [tilespmem:v24+s22+$0x0], $0xffff  }
0xd8: {  	v3 =	vor.u32 v3, v26;
	v29 =	vld.idx.msk [tilespmem:v29+s22+$0x0], $0xffff  }
0xd9: {  	v1 =	vsub.f32 v1, v4;
	v26 =	vld.idx.msk [tilespmem:v28+s22+$0x0], $0xffff  }
0xda: {  	v2 =	vsub.f32 v2, v5;
	v28 =	vsub.f32 v34, v6;
	v27 =	vld.idx.msk [tilespmem:v27+s22+$0x0], $0xffff  }
0xdb: {  	v6 =	vsub.f32 v31, v9;
	v31 =	vsub.f32 v33, v7;
	v30 =	vld.idx.msk [tilespmem:v30+s22+$0x0], $0xffff  }
0xdc: {  	v7 =	vsub.f32 v32, v10;
	v32 =	vsub.f32 v36, v11;
	v0 =	vld.idx.msk [tilespmem:v0+s22+$0x0], $0xffff  }
0xdd: {  	v23 =	vsub.f32 v23, v12;
	v9 =	vsub.f32 v25, v17;
	v3 =	vld.idx.msk [tilespmem:v3+s22+$0x0], $0xffff  }
0xde: {  	v11 =	vsub.f32 v24, v18;
	v10 =	vsub.f32 v29, v19;
	v12 =	vld [tilespmem:s10+$0xFFFFFFB0];
	s10 =	sadd.s32 $0x200, s10  }
0xdf: {  	v1 =	vmul.f32 v1, v1;
	v2 =	vmul.f32 v2, v2;
	v17 =	vsub.f32 v26, v20;
	v4 =	vld [tilespmem:s10+$0x80]  }
0xe0: {  	v19 =	vmul.f32 v6, v6;
	v20 =	vmul.f32 v7, v7;
	v18 =	vsub.f32 v27, v21;
	v5 =	vld [tilespmem:s10+$0x90]  }
0xe1: {  	v24 =	vmul.f32 v11, v11;
	v21 =	vsub.f32 v30, v22;
	v22 =	vmul.f32 v9, v9;
	v6 =	vld [tilespmem:s10+$0xA0]  }
0xe2: {  	v11 =	vmul.f32 v10, v10;
	v17 =	vmul.f32 v17, v17;
	v0 =	vsub.f32 v0, v8;
	v7 =	vld [tilespmem:s10+$0xB0]  }
0xe3: {  	v8 =	vmul.f32 v18, v18;
	v18 =	vmul.f32 v21, v21;
	v9 =	vld [tilespmem:s10+$0x0];
	v3 =	vsub.f32 v3, v12  }
0xe4: {  	v15 =	vadd.f32 v11, v15;
	v16 =	vadd.f32 v17, v16;
	v0 =	vmul.f32 v0, v0;
	v10 =	vld [tilespmem:s10+$0x10]  }
0xe5: {  	v8 =	vadd.f32 v8, v13;
	v13 =	vadd.f32 v18, v14;
	v11 =	vld [tilespmem:s10+$0x20];
	v3 =	vmul.f32 v3, v3  }
0xe6: {  	v14 =	vadd.f32 v22, v15;
	v15 =	vadd.f32 v24, v16;
	v16 =	vmul.f32 v32, v32;
	v12 =	vld [tilespmem:s10+$0x30]  }
0xe7: {  	v0 =	vadd.f32 v0, v8;
	v17 =	vld [tilespmem:s10+$0xFFFFFF80];
	v3 =	vadd.f32 v3, v13;
	v13 =	vmul.f32 v23, v23  }
0xe8: {  	v14 =	vadd.f32 v19, v14;
	v19 =	vadd.f32 v20, v15;
	v20 =	vmul.f32 v28, v28;
	v18 =	vld [tilespmem:s10+$0xFFFFFF90]  }
0xe9: {  	s11 =	sadd.s32 $0x200, s11;
	v21 =	vmul.f32 v31, v31;
	v0 =	vadd.f32 v16, v0;
	v8 =	vld [tilespmem:s10+$0xFFFFFFA0];
	v3 =	vadd.f32 v13, v3  }
0xea: {  	v15 =	vadd.f32 v1, v14;
	v16 =	vadd.f32 v2, v19;
	v22 =	vld [tilespmem:s11+$0x80]  }
0xeb: {  	v13 =	vadd.f32 v20, v0;
	v1 =	vld [tilespmem:s11+$0x90];
	v14 =	vadd.f32 v21, v3  }
0xec: {  	v0 =	vld [tilespmem:s11+$0xA0]  }
0xed: {  	v2 =	vld [tilespmem:s11+$0xB0]  }
0xee: {  	v3 =	vld [tilespmem:s11+$0x0]  }
0xef: {  	v24 =	vld [tilespmem:s11+$0x10]  }
0xf0: {  	v25 =	vld [tilespmem:s11+$0x20]  }
0xf1: {  	v26 =	vld [tilespmem:s11+$0x30]  }
0xf2: {  	v19 =	vld [tilespmem:s10+$0xFFFFFF00]  }
0xf3: {  	v27 =	vand.u32 $0x7F, v22;
	v31 =	vand.u32 $0x7F, v1;
	v32 =	vand.u32 $0x7F, v0;
	v30 =	vld [tilespmem:s11+$0xFFFFFF80]  }
0xf4: {  	v28 =	vand.u32 $0xFFFFFF80, v22;
	v1 =	vand.u32 $0xFFFFFF80, v1;
	v36 =	vand.u32 $0x7F, v2;
	v35 =	vld [tilespmem:s11+$0xFFFFFF90]  }
0xf5: {  	v33 =	vand.u32 $0xFFFFFF80, v0;
	v2 =	vand.u32 $0xFFFFFF80, v2;
	v39 =	vand.u32 $0x7F, v3;
	v38 =	vld [tilespmem:s11+$0xFFFFFFA0]  }
0xf6: {  	s13 =	sshll.u32 s12, $0x7;
	v40 =	vand.u32 $0x7F, v24;
	v41 =	vand.u32 $0x7F, v25;
	v20 =	vld [tilespmem:s10+$0xFFFFFF10];
	v23 =	vand.u32 $0x7F, v26  }
0xf7: {  	s14 =	sadd.s32 $0x180, s13;
	v37 =	vand.u32 $0xFFFFFF80, v3;
	v42 =	vand.u32 $0xFFFFFF80, v24;
	v43 =	vand.u32 $0xFFFFFF80, v25;
	v21 =	vld [tilespmem:s10+$0xFFFFFF20]  }
0xf8: {  	v0 =	vadd.s32 s14, v28;
	v44 =	vand.u32 $0xFFFFFF80, v26;
	v22 =	vld [tilespmem:s10+$0xFFFFFF30];
	v25 =	vand.u32 $0x7F, v30  }
0xf9: {  	v1 =	vadd.s32 s14, v1;
	v45 =	vor.u32 v27, v0;
	v29 =	vld [tilespmem:s11+$0xFFFFFF00];
	v24 =	vand.u32 $0x7F, v35  }
0xfa: {  	v46 =	vor.u32 v31, v1;
	v1 =	vadd.s32 s14, v33;
	v28 =	vld [tilespmem:s11+$0xFFFFFF10];
	v0 =	vand.u32 $0x7F, v38  }
.Ltmp3:
0xfb: {  	s15 =	sadd.s32 $0x100, s13;
	v34 =	vor.u32 v32, v1;
	v1 =	vadd.s32 s14, v2;
	v33 =	vand.u32 $0xFFFFFF80, v30;
	v27 =	vld [tilespmem:s11+$0xFFFFFF20];
	(pc) =	sbr.rel @p1 .LBB2_5-.Ltmp3, $4  }
0xfc: {  	v2 =	vadd.s32 s15, v37;
	v37 =	vor.u32 v36, v1;
	v31 =	vand.u32 $0xFFFFFF80, v35;
	v3 =	vld [tilespmem:s11+$0xFFFFFFB0]  }
0xfd: {  	v1 =	vadd.s32 s15, v42;
	v35 =	vor.u32 v39, v2;
	v26 =	vand.u32 $0xFFFFFF80, v38;
	v30 =	vld [tilespmem:s11+$0xFFFFFF30]  }
0xfe: {  	v32 =	vor.u32 v40, v1;
	v2 =	vadd.s32 s15, v43;
	v38 =	vand.u32 $0x7F, v29;
	v1 =	vld.idx.msk [tilespmem:v45+s22+$0x0], $0xffff  }
0xff: {  	s12 =	sadd.s32 $0x4, s12;
	s14 =	sadd.s32 $0x80, s13;
	v40 =	vadd.s32 s15, v44;
	v36 =	vor.u32 v41, v2;
	v39 =	vand.u32 $0x7F, v28;
	v2 =	vld.idx.msk [tilespmem:v46+s22+$0x0], $0xffff  }
0x100: {  	_ =	sdelay $0x3  }
0x101: {  	v41 =	vand.u32 $0x7F, v27;
	v33 =	vadd.s32 s14, v33;
	v23 =	vor.u32 v23, v40;
	v34 =	vld.idx.msk [tilespmem:v34+s22+$0x0], $0xffff  }
0x102: {  	v29 =	vand.u32 $0xFFFFFF80, v29;
	v31 =	vadd.s32 s14, v31;
	v50 =	vld.idx.msk [tilespmem:v37+s22+$0x0], $0xffff;
	v28 =	vand.u32 $0xFFFFFF80, v28  }
0x103: {  	v27 =	vand.u32 $0xFFFFFF80, v27;
	v32 =	vld.idx.msk [tilespmem:v32+s22+$0x0], $0xffff;
	v26 =	vadd.s32 s14, v26;
	v25 =	vor.u32 v25, v33  }
0x104: {  	v36 =	vld.idx.msk [tilespmem:v36+s22+$0x0], $0xffff;
	v29 =	vadd.s32 s13, v29;
	v24 =	vor.u32 v24, v31;
	v28 =	vadd.s32 s13, v28  }
0x105: {  	v54 =	vld [tilespmem:s10+$0xFFFFFFB0];
	v27 =	vadd.s32 s13, v27;
	v52 =	vand.u32 $0xFFFFFF80, v3;
	v29 =	vor.u32 v38, v29  }
0x106: {  	v31 =	vld.idx.msk [tilespmem:v35+s22+$0x0], $0xffff;
	v0 =	vor.u32 v0, v26;
	v3 =	vand.u32 $0x7F, v3;
	v28 =	vor.u32 v39, v28  }
0x107: {  	v51 =	vand.u32 $0xFFFFFF80, v30;
	v27 =	vor.u32 v41, v27;
	v26 =	vadd.s32 s14, v52;
	v23 =	vld.idx.msk [tilespmem:v23+s22+$0x0], $0xffff  }
0x108: {  	v30 =	vand.u32 $0x7F, v30;
	v35 =	vadd.s32 s13, v51;
	v3 =	vor.u32 v3, v26;
	v25 =	vld.idx.msk [tilespmem:v25+s22+$0x0], $0xffff  }
0x109: {  	v30 =	vor.u32 v30, v35;
	v24 =	vld.idx.msk [tilespmem:v24+s22+$0x0], $0xffff  }
0x10a: {  	s11 =	sadd.s32 @!p0 $0x5, s9;
	v29 =	vld.idx.msk [tilespmem:v29+s22+$0x0], $0xffff  }
0x10b: {  	s12 =	sshll.u32 @!p0 s11, $0xD;
	v26 =	vld.idx.msk [tilespmem:v28+s22+$0x0], $0xffff  }
0x10c: {  	s12 =	sadd.s32 @!p0 s6, s12;
	v27 =	vld.idx.msk [tilespmem:v27+s22+$0x0], $0xffff  }
0x10d: {  	s12 =	sshrl.u32 @!p0 s12, $0x3;
	v53 =	vld.idx.msk [tilespmem:v3+s22+$0x0], $0xffff  }
0x10e: {  	s13 =	simm.s32 @!p0 $0x2000;
	s10 =	sadd.s32 @!p0 s1, s12;
	s12 =	simm.s32 @!p0 $0x0;
	v28 =	vld.idx.msk [tilespmem:v30+s22+$0x0], $0xffff  }
0x10f: {  	v30 =	vld.idx.msk [tilespmem:v0+s22+$0x0], $0xffff;
	[tilespmem:s13], [sflag:$0x2] =	stream.linear.gather @!p0 [hbm4b:s10+s12], $0x2000, $0x38  }
0x110: {  	s10 =	sshll.u32 @!p0 s11, $0x7  }
0x111: {  	s10 =	sadd.s32 @!p0 s6, s10  }
0x112: {  	s10 =	sshrl.u32 @!p0 s10, $0x3  }
0x113: {  	s14 =	simm.s32 @!p0 $0xA000;
	s12 =	simm.s32 @!p0 $0x80;
	s11 =	sadd.s32 @!p0 s4, s10  }
0x114: {  	[tilespmem:s14], [sflag:$0x2] =	stream.strided.gather @!p0 [hbm4b:s11+s12], $0x2000, s13, s12, $0x38;
	[tilespmem:$0x18080] =	vst v63  }
0x115: {  	s10 =	sadd.s32 @!p0 s3, s10;
	s11 =	simm.s32 @!p0 $0x12000  }
0x116: {  	[tilespmem:s11], [sflag:$0x2] =	stream.strided.gather @!p0 [hbm4b:s10+s12], $0x2000, s13, s12, $0x38;
	[tilespmem:$0x18080] =	vst v63  }
0x117: {  	_ =	swait.ge [sflag:s25], $0x2000  }
0x118: {  	[sflag:s25] =	ssyncset.done $0x0  }
0x119: {  	[sflag:s25] =	ssyncadd.s32 $0xFFFFE000  }
0x11a: {  	_ =	swait.ge [sflag:s25], $0x2000  }
0x11b: {  	[sflag:s25] =	ssyncset.done $0x0  }
0x11c: {  	[sflag:s25] =	ssyncadd.s32 $0xFFFFE000  }
0x11d: {  	_ =	swait.ge [sflag:s25], $0x2000  }
0x11e: {  	[sflag:s25] =	ssyncset.done $0x0  }
0x11f: {  	s10 =	simm.s32 $0x14100;
	[sflag:s25] =	ssyncadd.s32 $0xFFFFE000  }
0x120: {  	v0 =	vld [tilespmem:s10+$0x80]  }
0x121: {  	v4 =	vsub.f32 v1, v4;
	v1 =	vld [tilespmem:s10+$0x90]  }
0x122: {  	v55 =	vsub.f32 v2, v5;
	v2 =	vld [tilespmem:s10+$0xA0]  }
0x123: {  	v10 =	vsub.f32 v32, v10;
	v3 =	vld [tilespmem:s10+$0xB0]  }
0x124: {  	v34 =	vsub.f32 v34, v6;
	v11 =	vsub.f32 v36, v11;
	v5 =	vld [tilespmem:s10+$0x0]  }
0x125: {  	v33 =	vsub.f32 v50, v7;
	v31 =	vsub.f32 v31, v9;
	v10 =	vmul.f32 v10, v10;
	v6 =	vld [tilespmem:s10+$0x10]  }
0x126: {  	v11 =	vmul.f32 v11, v11;
	v12 =	vsub.f32 v23, v12;
	v25 =	vsub.f32 v25, v17;
	v7 =	vld [tilespmem:s10+$0x20]  }
0x127: {  	v23 =	vmul.f32 v4, v4;
	v18 =	vsub.f32 v24, v18;
	v19 =	vsub.f32 v29, v19;
	v9 =	vld [tilespmem:s10+$0x30]  }
0x128: {  	v24 =	vmul.f32 v55, v55;
	v20 =	vsub.f32 v26, v20;
	v21 =	vsub.f32 v27, v21;
	v17 =	vld [tilespmem:s10+$0xFFFFFF80]  }
0x129: {  	v25 =	vmul.f32 v25, v25;
	v27 =	vmul.f32 v18, v18;
	v22 =	vsub.f32 v28, v22;
	v18 =	vld [tilespmem:s10+$0xFFFFFF90]  }
0x12a: {  	v19 =	vmul.f32 v19, v19;
	v20 =	vmul.f32 v20, v20;
	v8 =	vsub.f32 v30, v8;
	s11 =	simm.s32 $0xC100;
	v4 =	vld [tilespmem:s10+$0xFFFFFFA0]  }
0x12b: {  	v21 =	vmul.f32 v21, v21;
	v28 =	vsub.f32 v53, v54;
	v22 =	vmul.f32 v22, v22;
	v29 =	vld [tilespmem:s11+$0x80]  }
0x12c: {  	v15 =	vadd.f32 v19, v15;
	v16 =	vadd.f32 v20, v16;
	v8 =	vmul.f32 v8, v8;
	v19 =	vld [tilespmem:s11+$0x90]  }
0x12d: {  	v13 =	vadd.f32 v21, v13;
	v20 =	vmul.f32 v28, v28;
	v14 =	vadd.f32 v22, v14;
	v21 =	vld [tilespmem:s11+$0xA0]  }
0x12e: {  	v26 =	vmul.f32 v31, v31;
	v15 =	vadd.f32 v25, v15;
	v16 =	vadd.f32 v27, v16;
	v22 =	vld [tilespmem:s11+$0xB0]  }
0x12f: {  	v12 =	vmul.f32 v12, v12;
	v8 =	vadd.f32 v8, v13;
	v13 =	vadd.f32 v20, v14;
	v20 =	vld [tilespmem:s11+$0x0]  }
0x130: {  	v14 =	vadd.f32 v26, v15;
	v10 =	vadd.f32 v10, v16;
	v15 =	vmul.f32 v34, v34;
	v25 =	vld [tilespmem:s11+$0x10]  }
0x131: {  	v8 =	vadd.f32 v11, v8;
	v16 =	vmul.f32 v33, v33;
	v13 =	vadd.f32 v12, v13;
	v26 =	vld [tilespmem:s11+$0x20]  }
0x132: {  	v11 =	vadd.f32 v23, v14;
	v12 =	vadd.f32 v24, v10;
	v24 =	vld [tilespmem:s11+$0x30]  }
0x133: {  	v8 =	vadd.f32 v15, v8;
	v10 =	vadd.f32 v16, v13;
	v14 =	vld [tilespmem:s10+$0xFFFFFF00]  }
0x134: {  	v30 =	vld [tilespmem:s11+$0xFFFFFF80];
	v13 =	vand.u32 $0x7F, v29;
	v27 =	vand.u32 $0x7F, v19;
	v31 =	vand.u32 $0x7F, v21  }
0x135: {  	v56 =	vld [tilespmem:s11+$0xFFFFFF90];
	v28 =	vand.u32 $0xFFFFFF80, v29;
	v57 =	vand.u32 $0xFFFFFF80, v19;
	v58 =	vand.u32 $0x7F, v22  }
0x136: {  	v59 =	vld [tilespmem:s11+$0xFFFFFFA0];
	v60 =	vand.u32 $0x7F, v20;
	v21 =	vand.u32 $0xFFFFFF80, v21;
	v22 =	vand.u32 $0xFFFFFF80, v22  }
0x137: {  	v15 =	vld [tilespmem:s10+$0xFFFFFF10];
	v61 =	vand.u32 $0x7F, v25;
	v62 =	vand.u32 $0x7F, v26;
	v23 =	vand.u32 $0x7F, v24  }
0x138: {  	s14 =	simm.s32 $0x180;
	v16 =	vld [tilespmem:s10+$0xFFFFFF20];
	v20 =	vand.u32 $0xFFFFFF80, v20;
	v63 =	vand.u32 $0xFFFFFF80, v25;
	v42 =	vand.u32 $0xFFFFFF80, v26  }
0x139: {  	v19 =	vld [tilespmem:s10+$0xFFFFFF30];
	v25 =	vand.u32 $0x7F, v30;
	v43 =	vand.u32 $0xFFFFFF80, v24;
	v26 =	vadd.s32 s14, v28  }
0x13a: {  	v29 =	vld [tilespmem:s11+$0xFFFFFF00];
	v24 =	vand.u32 $0x7F, v56;
	v44 =	vor.u32 v13, v26;
	v26 =	vadd.s32 s14, v57  }
0x13b: {  	s15 =	simm.s32 $0x100;
	v33 =	vand.u32 $0xFFFFFF80, v30;
	v28 =	vld [tilespmem:s11+$0xFFFFFF10];
	v21 =	vadd.s32 s14, v21;
	v45 =	vor.u32 v27, v26  }
0x13c: {  	v20 =	vadd.s32 s15, v20;
	v34 =	vor.u32 v31, v21;
	v21 =	vadd.s32 s14, v22;
	v27 =	vld [tilespmem:s11+$0xFFFFFF20]  }
0x13d: {  	v30 =	vld [tilespmem:s11+$0xFFFFFF30];
	v40 =	vadd.s32 s15, v43;
	v13 =	vand.u32 $0x7F, v59;
	v37 =	vor.u32 v58, v21  }
0x13e: {  	v31 =	vand.u32 $0xFFFFFF80, v56;
	v22 =	vld [tilespmem:s11+$0xFFFFFFB0];
	v35 =	vor.u32 v60, v20;
	v20 =	vadd.s32 s15, v63  }
0x13f: {  	v26 =	vand.u32 $0xFFFFFF80, v59;
	v32 =	vor.u32 v61, v20;
	v21 =	vadd.s32 s15, v42;
	v20 =	vld.idx.msk [tilespmem:v44+s28+$0x0], $0xffff  }
0x140: {  	s13 =	simm.s32 $0x0;
	s12 =	simm.s32 $0x4;
	s14 =	simm.s32 $0x80;
	v36 =	vor.u32 v62, v21;
	v38 =	vand.u32 $0x7F, v29;
	v39 =	vand.u32 $0x7F, v28;
	v21 =	vld.idx.msk [tilespmem:v45+s28+$0x0], $0xffff  }
.LBB2_7:
0x141: {  	p1 =	slt.u32 s12, $0x3C;
	v41 =	vand.u32 $0x7F, v27;
	v33 =	vadd.s32 s14, v33;
	v23 =	vor.u32 v23, v40;
	v34 =	vld.idx.msk [tilespmem:v34+s28+$0x0], $0xffff  }
0x142: {  	v29 =	vand.u32 $0xFFFFFF80, v29;
	v31 =	vadd.s32 s14, v31;
	v25 =	vor.u32 v25, v33;
	v33 =	vld.idx.msk [tilespmem:v37+s28+$0x0], $0xffff  }
0x143: {  	v28 =	vand.u32 $0xFFFFFF80, v28;
	v29 =	vadd.s32 s13, v29;
	v24 =	vor.u32 v24, v31;
	v31 =	vld.idx.msk [tilespmem:v35+s28+$0x0], $0xffff  }
0x144: {  	v27 =	vand.u32 $0xFFFFFF80, v27;
	v28 =	vadd.s32 s13, v28;
	v29 =	vor.u32 v38, v29;
	v32 =	vld.idx.msk [tilespmem:v32+s28+$0x0], $0xffff  }
0x145: {  	v27 =	vadd.s32 s13, v27;
	v28 =	vor.u32 v39, v28;
	v35 =	vand.u32 $0xFFFFFF80, v30;
	v36 =	vld.idx.msk [tilespmem:v36+s28+$0x0], $0xffff  }
0x146: {  	v27 =	vor.u32 v41, v27;
	v30 =	vand.u32 $0x7F, v30;
	v35 =	vadd.s32 s13, v35;
	v23 =	vld.idx.msk [tilespmem:v23+s28+$0x0], $0xffff  }
0x147: {  	v26 =	vadd.s32 s14, v26;
	v30 =	vor.u32 v30, v35;
	v35 =	vand.u32 $0xFFFFFF80, v22;
	v25 =	vld.idx.msk [tilespmem:v25+s28+$0x0], $0xffff  }
0x148: {  	v13 =	vor.u32 v13, v26;
	v22 =	vand.u32 $0x7F, v22;
	v26 =	vadd.s32 s14, v35;
	v24 =	vld.idx.msk [tilespmem:v24+s28+$0x0], $0xffff  }
0x149: {  	v22 =	vor.u32 v22, v26;
	v29 =	vld.idx.msk [tilespmem:v29+s28+$0x0], $0xffff  }
0x14a: {  	v20 =	vsub.f32 v20, v0;
	v26 =	vld.idx.msk [tilespmem:v28+s28+$0x0], $0xffff  }
0x14b: {  	v1 =	vsub.f32 v21, v1;
	v21 =	vsub.f32 v34, v2;
	v27 =	vld.idx.msk [tilespmem:v27+s28+$0x0], $0xffff  }
0x14c: {  	v2 =	vsub.f32 v31, v5;
	v28 =	vld.idx.msk [tilespmem:v30+s28+$0x0], $0xffff;
	v30 =	vsub.f32 v33, v3  }
0x14d: {  	v3 =	vsub.f32 v32, v6;
	v5 =	vld.idx.msk [tilespmem:v13+s28+$0x0], $0xffff;
	v13 =	vsub.f32 v36, v7  }
0x14e: {  	v6 =	vsub.f32 v25, v17;
	v7 =	vld.idx.msk [tilespmem:v22+s28+$0x0], $0xffff;
	v22 =	vsub.f32 v23, v9  }
0x14f: {  	v9 =	vsub.f32 v29, v14;
	v14 =	vsub.f32 v24, v18;
	v17 =	vld [tilespmem:s10+$0xFFFFFFB0];
	s10 =	sadd.s32 $0x200, s10  }
0x150: {  	v20 =	vmul.f32 v20, v20;
	v23 =	vmul.f32 v1, v1;
	v15 =	vsub.f32 v26, v15;
	v0 =	vld [tilespmem:s10+$0x80]  }
0x151: {  	v24 =	vmul.f32 v2, v2;
	v25 =	vmul.f32 v3, v3;
	v16 =	vsub.f32 v27, v16;
	v1 =	vld [tilespmem:s10+$0x90]  }
0x152: {  	v14 =	vmul.f32 v14, v14;
	v18 =	vsub.f32 v28, v19;
	v19 =	vmul.f32 v6, v6;
	v2 =	vld [tilespmem:s10+$0xA0]  }
0x153: {  	v9 =	vmul.f32 v9, v9;
	v15 =	vmul.f32 v15, v15;
	v4 =	vsub.f32 v5, v4;
	v3 =	vld [tilespmem:s10+$0xB0]  }
0x154: {  	v16 =	vmul.f32 v16, v16;
	v18 =	vmul.f32 v18, v18;
	v5 =	vld [tilespmem:s10+$0x0];
	v17 =	vsub.f32 v7, v17  }
0x155: {  	v11 =	vadd.f32 v9, v11;
	v12 =	vadd.f32 v15, v12;
	v4 =	vmul.f32 v4, v4;
	v6 =	vld [tilespmem:s10+$0x10]  }
0x156: {  	v8 =	vadd.f32 v16, v8;
	v10 =	vadd.f32 v18, v10;
	v7 =	vld [tilespmem:s10+$0x20];
	v15 =	vmul.f32 v17, v17  }
0x157: {  	v13 =	vmul.f32 v13, v13;
	v11 =	vadd.f32 v19, v11;
	v12 =	vadd.f32 v14, v12;
	v9 =	vld [tilespmem:s10+$0x30]  }
0x158: {  	v14 =	vmul.f32 v22, v22;
	v8 =	vadd.f32 v4, v8;
	v17 =	vld [tilespmem:s10+$0xFFFFFF80];
	v10 =	vadd.f32 v15, v10  }
0x159: {  	v11 =	vadd.f32 v24, v11;
	v12 =	vadd.f32 v25, v12;
	v15 =	vmul.f32 v21, v21;
	v18 =	vld [tilespmem:s10+$0xFFFFFF90]  }
0x15a: {  	s11 =	sadd.s32 $0x200, s11;
	v8 =	vadd.f32 v13, v8;
	v13 =	vmul.f32 v30, v30;
	v4 =	vld [tilespmem:s10+$0xFFFFFFA0];
	v10 =	vadd.f32 v14, v10  }
0x15b: {  	v11 =	vadd.f32 v20, v11;
	v12 =	vadd.f32 v23, v12;
	v16 =	vld [tilespmem:s11+$0x80]  }
0x15c: {  	v8 =	vadd.f32 v15, v8;
	v19 =	vld [tilespmem:s11+$0x90];
	v10 =	vadd.f32 v13, v10  }
0x15d: {  	v13 =	vld [tilespmem:s11+$0xA0]  }
0x15e: {  	v15 =	vld [tilespmem:s11+$0xB0]  }
0x15f: {  	v20 =	vld [tilespmem:s11+$0x0]  }
0x160: {  	v21 =	vld [tilespmem:s11+$0x10]  }
0x161: {  	v22 =	vld [tilespmem:s11+$0x20]  }
0x162: {  	v24 =	vld [tilespmem:s11+$0x30]  }
0x163: {  	v14 =	vld [tilespmem:s10+$0xFFFFFF00]  }
0x164: {  	v27 =	vand.u32 $0x7F, v16;
	v30 =	vand.u32 $0x7F, v19;
	v31 =	vand.u32 $0x7F, v13;
	v26 =	vld [tilespmem:s11+$0xFFFFFF80]  }
0x165: {  	v28 =	vand.u32 $0xFFFFFF80, v16;
	v33 =	vand.u32 $0xFFFFFF80, v19;
	v35 =	vand.u32 $0x7F, v15;
	v32 =	vld [tilespmem:s11+$0xFFFFFF90]  }
0x166: {  	v34 =	vand.u32 $0xFFFFFF80, v13;
	v37 =	vand.u32 $0xFFFFFF80, v15;
	v38 =	vand.u32 $0x7F, v20;
	v36 =	vld [tilespmem:s11+$0xFFFFFFA0]  }
0x167: {  	s13 =	sshll.u32 s12, $0x7;
	v39 =	vand.u32 $0x7F, v21;
	v40 =	vand.u32 $0x7F, v22;
	v15 =	vld [tilespmem:s10+$0xFFFFFF10];
	v23 =	vand.u32 $0x7F, v24  }
0x168: {  	s14 =	sadd.s32 $0x180, s13;
	v20 =	vand.u32 $0xFFFFFF80, v20;
	v21 =	vand.u32 $0xFFFFFF80, v21;
	v41 =	vand.u32 $0xFFFFFF80, v22;
	v16 =	vld [tilespmem:s10+$0xFFFFFF20]  }
0x169: {  	v13 =	vadd.s32 s14, v28;
	v42 =	vand.u32 $0xFFFFFF80, v24;
	v19 =	vld [tilespmem:s10+$0xFFFFFF30];
	v25 =	vand.u32 $0x7F, v26  }
0x16a: {  	v43 =	vor.u32 v27, v13;
	v22 =	vadd.s32 s14, v33;
	v29 =	vld [tilespmem:s11+$0xFFFFFF00];
	v24 =	vand.u32 $0x7F, v32  }
0x16b: {  	v44 =	vor.u32 v30, v22;
	v22 =	vadd.s32 s14, v34;
	v28 =	vld [tilespmem:s11+$0xFFFFFF10];
	v13 =	vand.u32 $0x7F, v36  }
.Ltmp4:
0x16c: {  	s15 =	sadd.s32 $0x100, s13;
	v34 =	vor.u32 v31, v22;
	v33 =	vand.u32 $0xFFFFFF80, v26;
	v26 =	vadd.s32 s14, v37;
	v27 =	vld [tilespmem:s11+$0xFFFFFF20];
	(pc) =	sbr.rel @p1 .LBB2_7-.Ltmp4, $4  }
0x16d: {  	v20 =	vadd.s32 s15, v20;
	v31 =	vand.u32 $0xFFFFFF80, v32;
	v37 =	vor.u32 v35, v26;
	v22 =	vld [tilespmem:s11+$0xFFFFFFB0]  }
0x16e: {  	v35 =	vor.u32 v38, v20;
	v20 =	vadd.s32 s15, v21;
	v26 =	vand.u32 $0xFFFFFF80, v36;
	v30 =	vld [tilespmem:s11+$0xFFFFFF30]  }
0x16f: {  	v21 =	vadd.s32 s15, v41;
	v32 =	vor.u32 v39, v20;
	v38 =	vand.u32 $0x7F, v29;
	v20 =	vld.idx.msk [tilespmem:v43+s28+$0x0], $0xffff  }
0x170: {  	s12 =	sadd.s32 $0x4, s12;
	s14 =	sadd.s32 $0x80, s13;
	v36 =	vor.u32 v40, v21;
	v40 =	vadd.s32 s15, v42;
	v39 =	vand.u32 $0x7F, v28;
	v21 =	vld.idx.msk [tilespmem:v44+s28+$0x0], $0xffff  }
0x171: {  	_ =	sdelay $0x3  }
0x172: {  	v41 =	vand.u32 $0x7F, v27;
	v33 =	vadd.s32 s14, v33;
	v23 =	vor.u32 v23, v40;
	v34 =	vld.idx.msk [tilespmem:v34+s28+$0x0], $0xffff  }
0x173: {  	v29 =	vand.u32 $0xFFFFFF80, v29;
	v31 =	vadd.s32 s14, v31;
	v49 =	vld.idx.msk [tilespmem:v37+s28+$0x0], $0xffff;
	v28 =	vand.u32 $0xFFFFFF80, v28  }
0x174: {  	v27 =	vand.u32 $0xFFFFFF80, v27;
	v32 =	vld.idx.msk [tilespmem:v32+s28+$0x0], $0xffff;
	v26 =	vadd.s32 s14, v26;
	v25 =	vor.u32 v25, v33  }
0x175: {  	v36 =	vld.idx.msk [tilespmem:v36+s28+$0x0], $0xffff;
	v29 =	vadd.s32 s13, v29;
	v24 =	vor.u32 v24, v31;
	v28 =	vadd.s32 s13, v28  }
0x176: {  	v52 =	vld [tilespmem:s10+$0xFFFFFFB0];
	v27 =	vadd.s32 s13, v27;
	v51 =	vand.u32 $0xFFFFFF80, v22;
	v29 =	vor.u32 v38, v29  }
0x177: {  	v31 =	vld.idx.msk [tilespmem:v35+s28+$0x0], $0xffff;
	v13 =	vor.u32 v13, v26;
	v22 =	vand.u32 $0x7F, v22;
	v28 =	vor.u32 v39, v28  }
0x178: {  	v50 =	vand.u32 $0xFFFFFF80, v30;
	v27 =	vor.u32 v41, v27;
	v26 =	vadd.s32 s14, v51;
	v23 =	vld.idx.msk [tilespmem:v23+s28+$0x0], $0xffff  }
0x179: {  	v30 =	vand.u32 $0x7F, v30;
	v35 =	vadd.s32 s13, v50;
	v22 =	vor.u32 v22, v26;
	v25 =	vld.idx.msk [tilespmem:v25+s28+$0x0], $0xffff  }
0x17a: {  	v30 =	vor.u32 v30, v35;
	v24 =	vld.idx.msk [tilespmem:v24+s28+$0x0], $0xffff  }
0x17b: {  	s11 =	sadd.s32 @!p0 $0x6, s9;
	v29 =	vld.idx.msk [tilespmem:v29+s28+$0x0], $0xffff  }
0x17c: {  	s12 =	sshll.u32 @!p0 s11, $0xD;
	v26 =	vld.idx.msk [tilespmem:v28+s28+$0x0], $0xffff  }
0x17d: {  	s12 =	sadd.s32 @!p0 s6, s12;
	v27 =	vld.idx.msk [tilespmem:v27+s28+$0x0], $0xffff  }
0x17e: {  	s12 =	sshrl.u32 @!p0 s12, $0x3;
	v22 =	vld.idx.msk [tilespmem:v22+s28+$0x0], $0xffff  }
0x17f: {  	s13 =	simm.s32 @!p0 $0x4000;
	s10 =	sadd.s32 @!p0 s1, s12;
	s12 =	simm.s32 @!p0 $0x0;
	v28 =	vld.idx.msk [tilespmem:v30+s28+$0x0], $0xffff  }
0x180: {  	v30 =	vld.idx.msk [tilespmem:v13+s28+$0x0], $0xffff;
	[tilespmem:s13], [sflag:$0x3] =	stream.linear.gather @!p0 [hbm4b:s10+s12], $0x2000, $0x38  }
0x181: {  	s10 =	sshll.u32 @!p0 s11, $0x7  }
0x182: {  	s10 =	sadd.s32 @!p0 s6, s10  }
0x183: {  	s14 =	simm.s32 @!p0 $0xC000;
	s10 =	sshrl.u32 @!p0 s10, $0x3  }
0x184: {  	s12 =	simm.s32 @!p0 $0x80;
	s13 =	simm.s32 @!p0 $0x2000;
	s11 =	sadd.s32 @!p0 s4, s10  }
0x185: {  	[tilespmem:s14], [sflag:$0x3] =	stream.strided.gather @!p0 [hbm4b:s11+s12], $0x2000, s13, s12, $0x38;
	[tilespmem:$0x18080] =	vst v63  }
0x186: {  	s10 =	sadd.s32 @!p0 s3, s10;
	s11 =	simm.s32 @!p0 $0x14000  }
0x187: {  	[tilespmem:s11], [sflag:$0x3] =	stream.strided.gather @!p0 [hbm4b:s10+s12], $0x2000, s13, s12, $0x38;
	[tilespmem:$0x18080] =	vst v63  }
0x188: {  	_ =	swait.ge [sflag:s26], $0x2000  }
0x189: {  	[sflag:s26] =	ssyncset.done $0x0  }
0x18a: {  	[sflag:s26] =	ssyncadd.s32 $0xFFFFE000  }
0x18b: {  	_ =	swait.ge [sflag:s26], $0x2000  }
0x18c: {  	[sflag:s26] =	ssyncset.done $0x0  }
0x18d: {  	[sflag:s26] =	ssyncadd.s32 $0xFFFFE000  }
0x18e: {  	_ =	swait.ge [sflag:s26], $0x2000  }
0x18f: {  	[sflag:s26] =	ssyncset.done $0x0  }
0x190: {  	s10 =	simm.s32 $0x16100;
	[sflag:s26] =	ssyncadd.s32 $0xFFFFE000  }
0x191: {  	v13 =	vld [tilespmem:s10+$0x80]  }
0x192: {  	v20 =	vsub.f32 v20, v0;
	v0 =	vld [tilespmem:s10+$0x90]  }
0x193: {  	v21 =	vsub.f32 v21, v1;
	v1 =	vld [tilespmem:s10+$0xA0]  }
0x194: {  	v34 =	vsub.f32 v34, v2;
	v33 =	vsub.f32 v49, v3;
	v2 =	vld [tilespmem:s10+$0xB0]  }
0x195: {  	v3 =	vsub.f32 v32, v6;
	v31 =	vsub.f32 v31, v5;
	v5 =	vld [tilespmem:s10+$0x0]  }
0x196: {  	v53 =	vsub.f32 v36, v7;
	v23 =	vsub.f32 v23, v9;
	v6 =	vld [tilespmem:s10+$0x10]  }
0x197: {  	v20 =	vmul.f32 v20, v20;
	v17 =	vsub.f32 v25, v17;
	v18 =	vsub.f32 v24, v18;
	v7 =	vld [tilespmem:s10+$0x20]  }
0x198: {  	v21 =	vmul.f32 v21, v21;
	v25 =	vsub.f32 v29, v14;
	v24 =	vsub.f32 v26, v15;
	v9 =	vld [tilespmem:s10+$0x30]  }
0x199: {  	v16 =	vsub.f32 v27, v16;
	v26 =	vmul.f32 v31, v31;
	v27 =	vmul.f32 v3, v3;
	v14 =	vld [tilespmem:s10+$0xFFFFFF80]  }
0x19a: {  	v17 =	vmul.f32 v17, v17;
	v18 =	vmul.f32 v18, v18;
	v19 =	vsub.f32 v28, v19;
	v15 =	vld [tilespmem:s10+$0xFFFFFF90]  }
0x19b: {  	v25 =	vmul.f32 v25, v25;
	v24 =	vmul.f32 v24, v24;
	v4 =	vsub.f32 v30, v4;
	s11 =	simm.s32 $0xE100;
	v3 =	vld [tilespmem:s10+$0xFFFFFFA0]  }
0x19c: {  	v22 =	vsub.f32 v22, v52;
	v16 =	vmul.f32 v16, v16;
	v19 =	vmul.f32 v19, v19;
	v28 =	vld [tilespmem:s11+$0x80]  }
0x19d: {  	v11 =	vadd.f32 v25, v11;
	v12 =	vadd.f32 v24, v12;
	v4 =	vmul.f32 v4, v4;
	v24 =	vld [tilespmem:s11+$0x90]  }
0x19e: {  	v8 =	vadd.f32 v16, v8;
	v16 =	vmul.f32 v22, v22;
	v10 =	vadd.f32 v19, v10;
	v19 =	vld [tilespmem:s11+$0xA0]  }
0x19f: {  	v11 =	vadd.f32 v17, v11;
	v12 =	vadd.f32 v18, v12;
	v17 =	vmul.f32 v53, v53;
	v18 =	vld [tilespmem:s11+$0xB0]  }
0x1a0: {  	v4 =	vadd.f32 v4, v8;
	v8 =	vadd.f32 v16, v10;
	v10 =	vmul.f32 v23, v23;
	v22 =	vld [tilespmem:s11+$0x0]  }
0x1a1: {  	v11 =	vadd.f32 v26, v11;
	v12 =	vadd.f32 v27, v12;
	v16 =	vmul.f32 v34, v34;
	v23 =	vld [tilespmem:s11+$0x10]  }
0x1a2: {  	v4 =	vadd.f32 v17, v4;
	v17 =	vmul.f32 v33, v33;
	v8 =	vadd.f32 v10, v8;
	v25 =	vld [tilespmem:s11+$0x20]  }
0x1a3: {  	v10 =	vadd.f32 v20, v11;
	v11 =	vadd.f32 v21, v12;
	v20 =	vld [tilespmem:s11+$0x30]  }
0x1a4: {  	v4 =	vadd.f32 v16, v4;
	v8 =	vadd.f32 v17, v8;
	v12 =	vld [tilespmem:s10+$0xFFFFFF00]  }
0x1a5: {  	v26 =	vld [tilespmem:s11+$0xFFFFFF80];
	v27 =	vand.u32 $0x7F, v28;
	v30 =	vand.u32 $0x7F, v24;
	v31 =	vand.u32 $0x7F, v19  }
0x1a6: {  	v54 =	vld [tilespmem:s11+$0xFFFFFF90];
	v28 =	vand.u32 $0xFFFFFF80, v28;
	v24 =	vand.u32 $0xFFFFFF80, v24;
	v55 =	vand.u32 $0x7F, v18  }
0x1a7: {  	v56 =	vld [tilespmem:s11+$0xFFFFFFA0];
	v57 =	vand.u32 $0x7F, v22;
	v58 =	vand.u32 $0xFFFFFF80, v19;
	v59 =	vand.u32 $0xFFFFFF80, v18  }
0x1a8: {  	v29 =	vld [tilespmem:s11+$0xFFFFFF00];
	v60 =	vand.u32 $0x7F, v23;
	v61 =	vand.u32 $0x7F, v25;
	v21 =	vand.u32 $0x7F, v20  }
0x1a9: {  	s14 =	simm.s32 $0x180;
	v16 =	vld [tilespmem:s10+$0xFFFFFF10];
	v22 =	vand.u32 $0xFFFFFF80, v22;
	v62 =	vand.u32 $0xFFFFFF80, v23;
	v42 =	vand.u32 $0xFFFFFF80, v25  }
0x1aa: {  	v17 =	vld [tilespmem:s10+$0xFFFFFF20];
	v25 =	vand.u32 $0x7F, v26;
	v43 =	vand.u32 $0xFFFFFF80, v20;
	v19 =	vadd.s32 s14, v28  }
0x1ab: {  	v18 =	vld [tilespmem:s10+$0xFFFFFF30];
	v23 =	vand.u32 $0x7F, v54;
	v20 =	vadd.s32 s14, v24;
	v44 =	vor.u32 v27, v19  }
0x1ac: {  	v33 =	vand.u32 $0xFFFFFF80, v26;
	v28 =	vld [tilespmem:s11+$0xFFFFFF10];
	v24 =	vor.u32 v30, v20;
	v20 =	vadd.s32 s14, v58  }
0x1ad: {  	s15 =	simm.s32 $0x100;
	v38 =	vand.u32 $0x7F, v29;
	v26 =	vadd.s32 s14, v59;
	v27 =	vld [tilespmem:s11+$0xFFFFFF20];
	v34 =	vor.u32 v31, v20  }
0x1ae: {  	v22 =	vadd.s32 s15, v22;
	v63 =	vadd.s32 s15, v42;
	v37 =	vor.u32 v55, v26;
	v30 =	vld [tilespmem:s11+$0xFFFFFF30]  }
0x1af: {  	v40 =	vadd.s32 s15, v43;
	v35 =	vor.u32 v57, v22;
	v22 =	vadd.s32 s15, v62;
	v20 =	vld [tilespmem:s11+$0xFFFFFFB0]  }
0x1b0: {  	v19 =	vand.u32 $0x7F, v56;
	v26 =	vand.u32 $0xFFFFFF80, v56;
	v32 =	vor.u32 v60, v22;
	v22 =	vld.idx.msk [tilespmem:v44+s31+$0x0], $0xffff  }
0x1b1: {  	s13 =	simm.s32 $0x0;
	s12 =	simm.s32 $0x4;
	s14 =	simm.s32 $0x80;
	v36 =	vor.u32 v61, v63;
	v31 =	vand.u32 $0xFFFFFF80, v54;
	v39 =	vand.u32 $0x7F, v28;
	v24 =	vld.idx.msk [tilespmem:v24+s31+$0x0], $0xffff  }
.LBB2_9:
0x1b2: {  	p1 =	slt.u32 s12, $0x3C;
	v41 =	vand.u32 $0x7F, v27;
	v33 =	vadd.s32 s14, v33;
	v21 =	vor.u32 v21, v40;
	v34 =	vld.idx.msk [tilespmem:v34+s31+$0x0], $0xffff  }
0x1b3: {  	v29 =	vand.u32 $0xFFFFFF80, v29;
	v31 =	vadd.s32 s14, v31;
	v25 =	vor.u32 v25, v33;
	v33 =	vld.idx.msk [tilespmem:v37+s31+$0x0], $0xffff  }
0x1b4: {  	v28 =	vand.u32 $0xFFFFFF80, v28;
	v29 =	vadd.s32 s13, v29;
	v23 =	vor.u32 v23, v31;
	v31 =	vld.idx.msk [tilespmem:v35+s31+$0x0], $0xffff  }
0x1b5: {  	v27 =	vand.u32 $0xFFFFFF80, v27;
	v28 =	vadd.s32 s13, v28;
	v29 =	vor.u32 v38, v29;
	v32 =	vld.idx.msk [tilespmem:v32+s31+$0x0], $0xffff  }
0x1b6: {  	v27 =	vadd.s32 s13, v27;
	v28 =	vor.u32 v39, v28;
	v35 =	vand.u32 $0xFFFFFF80, v30;
	v36 =	vld.idx.msk [tilespmem:v36+s31+$0x0], $0xffff  }
0x1b7: {  	v27 =	vor.u32 v41, v27;
	v30 =	vand.u32 $0x7F, v30;
	v35 =	vadd.s32 s13, v35;
	v21 =	vld.idx.msk [tilespmem:v21+s31+$0x0], $0xffff  }
0x1b8: {  	v26 =	vadd.s32 s14, v26;
	v30 =	vor.u32 v30, v35;
	v35 =	vand.u32 $0xFFFFFF80, v20;
	v25 =	vld.idx.msk [tilespmem:v25+s31+$0x0], $0xffff  }
0x1b9: {  	v19 =	vor.u32 v19, v26;
	v20 =	vand.u32 $0x7F, v20;
	v26 =	vadd.s32 s14, v35;
	v23 =	vld.idx.msk [tilespmem:v23+s31+$0x0], $0xffff  }
0x1ba: {  	v20 =	vor.u32 v20, v26;
	v29 =	vld.idx.msk [tilespmem:v29+s31+$0x0], $0xffff  }
0x1bb: {  	v22 =	vsub.f32 v22, v13;
	v26 =	vld.idx.msk [tilespmem:v28+s31+$0x0], $0xffff  }
0x1bc: {  	v0 =	vsub.f32 v24, v0;
	v24 =	vsub.f32 v34, v1;
	v27 =	vld.idx.msk [tilespmem:v27+s31+$0x0], $0xffff  }
0x1bd: {  	v1 =	vsub.f32 v31, v5;
	v28 =	vld.idx.msk [tilespmem:v30+s31+$0x0], $0xffff;
	v30 =	vsub.f32 v33, v2  }
0x1be: {  	v2 =	vsub.f32 v32, v6;
	v5 =	vld.idx.msk [tilespmem:v19+s31+$0x0], $0xffff;
	v19 =	vsub.f32 v36, v7  }
0x1bf: {  	v6 =	vsub.f32 v25, v14;
	v7 =	vld.idx.msk [tilespmem:v20+s31+$0x0], $0xffff;
	v20 =	vsub.f32 v21, v9  }
0x1c0: {  	v9 =	vsub.f32 v29, v12;
	v12 =	vsub.f32 v23, v15;
	v14 =	vld [tilespmem:s10+$0xFFFFFFB0];
	s10 =	sadd.s32 $0x200, s10  }
0x1c1: {  	v21 =	vmul.f32 v0, v0;
	v15 =	vsub.f32 v26, v16;
	v16 =	vmul.f32 v22, v22;
	v13 =	vld [tilespmem:s10+$0x80]  }
0x1c2: {  	v23 =	vmul.f32 v2, v2;
	v22 =	vmul.f32 v1, v1;
	v17 =	vsub.f32 v27, v17;
	v0 =	vld [tilespmem:s10+$0x90]  }
0x1c3: {  	v25 =	vmul.f32 v6, v6;
	v12 =	vmul.f32 v12, v12;
	v18 =	vsub.f32 v28, v18;
	v1 =	vld [tilespmem:s10+$0xA0]  }
0x1c4: {  	v9 =	vmul.f32 v9, v9;
	v15 =	vmul.f32 v15, v15;
	v3 =	vsub.f32 v5, v3;
	v2 =	vld [tilespmem:s10+$0xB0]  }
0x1c5: {  	v17 =	vmul.f32 v17, v17;
	v18 =	vmul.f32 v18, v18;
	v5 =	vld [tilespmem:s10+$0x0];
	v14 =	vsub.f32 v7, v14  }
0x1c6: {  	v10 =	vadd.f32 v9, v10;
	v11 =	vadd.f32 v15, v11;
	v3 =	vmul.f32 v3, v3;
	v6 =	vld [tilespmem:s10+$0x10]  }
0x1c7: {  	v4 =	vadd.f32 v17, v4;
	v8 =	vadd.f32 v18, v8;
	v7 =	vld [tilespmem:s10+$0x20];
	v15 =	vmul.f32 v14, v14  }
0x1c8: {  	v10 =	vadd.f32 v25, v10;
	v11 =	vadd.f32 v12, v11;
	v12 =	vmul.f32 v19, v19;
	v9 =	vld [tilespmem:s10+$0x30]  }
0x1c9: {  	v17 =	vmul.f32 v20, v20;
	v4 =	vadd.f32 v3, v4;
	v14 =	vld [tilespmem:s10+$0xFFFFFF80];
	v8 =	vadd.f32 v15, v8  }
0x1ca: {  	v18 =	vmul.f32 v24, v24;
	v10 =	vadd.f32 v22, v10;
	v11 =	vadd.f32 v23, v11;
	v15 =	vld [tilespmem:s10+$0xFFFFFF90]  }
0x1cb: {  	s11 =	sadd.s32 $0x200, s11;
	v4 =	vadd.f32 v12, v4;
	v12 =	vmul.f32 v30, v30;
	v3 =	vld [tilespmem:s10+$0xFFFFFFA0];
	v8 =	vadd.f32 v17, v8  }
0x1cc: {  	v10 =	vadd.f32 v16, v10;
	v11 =	vadd.f32 v21, v11;
	v17 =	vld [tilespmem:s11+$0x80]  }
0x1cd: {  	v4 =	vadd.f32 v18, v4;
	v16 =	vld [tilespmem:s11+$0x90];
	v8 =	vadd.f32 v12, v8  }
0x1ce: {  	v18 =	vld [tilespmem:s11+$0xA0]  }
0x1cf: {  	v19 =	vld [tilespmem:s11+$0xB0]  }
0x1d0: {  	v20 =	vld [tilespmem:s11+$0x0]  }
0x1d1: {  	v22 =	vld [tilespmem:s11+$0x10]  }
0x1d2: {  	v23 =	vld [tilespmem:s11+$0x20]  }
0x1d3: {  	v24 =	vld [tilespmem:s11+$0x30]  }
0x1d4: {  	v12 =	vld [tilespmem:s10+$0xFFFFFF00]  }
0x1d5: {  	v27 =	vand.u32 $0x7F, v17;
	v30 =	vand.u32 $0x7F, v16;
	v31 =	vand.u32 $0x7F, v18;
	v26 =	vld [tilespmem:s11+$0xFFFFFF80]  }
0x1d6: {  	v28 =	vand.u32 $0xFFFFFF80, v17;
	v33 =	vand.u32 $0xFFFFFF80, v16;
	v35 =	vand.u32 $0x7F, v19;
	v32 =	vld [tilespmem:s11+$0xFFFFFF90]  }
0x1d7: {  	v34 =	vand.u32 $0xFFFFFF80, v18;
	v37 =	vand.u32 $0xFFFFFF80, v19;
	v38 =	vand.u32 $0x7F, v20;
	v36 =	vld [tilespmem:s11+$0xFFFFFFA0]  }
0x1d8: {  	s13 =	sshll.u32 s12, $0x7;
	v39 =	vand.u32 $0x7F, v22;
	v40 =	vand.u32 $0x7F, v23;
	v16 =	vld [tilespmem:s10+$0xFFFFFF10];
	v21 =	vand.u32 $0x7F, v24  }
0x1d9: {  	s14 =	sadd.s32 $0x180, s13;
	v41 =	vand.u32 $0xFFFFFF80, v20;
	v22 =	vand.u32 $0xFFFFFF80, v22;
	v42 =	vand.u32 $0xFFFFFF80, v23;
	v17 =	vld [tilespmem:s10+$0xFFFFFF20]  }
0x1da: {  	v19 =	vadd.s32 s14, v28;
	v24 =	vand.u32 $0xFFFFFF80, v24;
	v18 =	vld [tilespmem:s10+$0xFFFFFF30];
	v25 =	vand.u32 $0x7F, v26  }
0x1db: {  	v43 =	vor.u32 v27, v19;
	v20 =	vadd.s32 s14, v33;
	v29 =	vld [tilespmem:s11+$0xFFFFFF00];
	v23 =	vand.u32 $0x7F, v32  }
0x1dc: {  	v44 =	vor.u32 v30, v20;
	v20 =	vadd.s32 s14, v34;
	v28 =	vld [tilespmem:s11+$0xFFFFFF10];
	v19 =	vand.u32 $0x7F, v36  }
.Ltmp5:
0x1dd: {  	s15 =	sadd.s32 $0x100, s13;
	v34 =	vor.u32 v31, v20;
	v33 =	vand.u32 $0xFFFFFF80, v26;
	v26 =	vadd.s32 s14, v37;
	v27 =	vld [tilespmem:s11+$0xFFFFFF20];
	(pc) =	sbr.rel @p1 .LBB2_9-.Ltmp5, $4  }
0x1de: {  	v31 =	vand.u32 $0xFFFFFF80, v32;
	v32 =	vadd.s32 s15, v41;
	v37 =	vor.u32 v35, v26;
	v20 =	vld [tilespmem:s11+$0xFFFFFFB0]  }
0x1df: {  	v22 =	vadd.s32 s15, v22;
	v26 =	vand.u32 $0xFFFFFF80, v36;
	v35 =	vor.u32 v38, v32;
	v30 =	vld [tilespmem:s11+$0xFFFFFF30]  }
0x1e0: {  	v32 =	vor.u32 v39, v22;
	v36 =	vadd.s32 s15, v42;
	v38 =	vand.u32 $0x7F, v29;
	v22 =	vld.idx.msk [tilespmem:v43+s31+$0x0], $0xffff  }
0x1e1: {  	s12 =	sadd.s32 $0x4, s12;
	s14 =	sadd.s32 $0x80, s13;
	v36 =	vor.u32 v40, v36;
	v40 =	vadd.s32 s15, v24;
	v39 =	vand.u32 $0x7F, v28;
	v24 =	vld.idx.msk [tilespmem:v44+s31+$0x0], $0xffff  }
0x1e2: {  	_ =	sdelay $0x3  }
0x1e3: {  	v34 =	vld.idx.msk [tilespmem:v34+s31+$0x0], $0xffff  }
0x1e4: {  	v41 =	vand.u32 $0x7F, v27;
	v33 =	vadd.s32 s14, v33;
	v21 =	vor.u32 v21, v40;
	v48 =	vld.idx.msk [tilespmem:v37+s31+$0x0], $0xffff  }
0x1e5: {  	v29 =	vand.u32 $0xFFFFFF80, v29;
	v31 =	vadd.s32 s14, v31;
	v49 =	vld.idx.msk [tilespmem:v35+s31+$0x0], $0xffff;
	v25 =	vor.u32 v25, v33  }
0x1e6: {  	v28 =	vand.u32 $0xFFFFFF80, v28;
	v32 =	vld.idx.msk [tilespmem:v32+s31+$0x0], $0xffff;
	v29 =	vadd.s32 s13, v29;
	v23 =	vor.u32 v23, v31  }
0x1e7: {  	v50 =	vand.u32 $0xFFFFFF80, v27;
	v36 =	vld.idx.msk [tilespmem:v36+s31+$0x0], $0xffff;
	v28 =	vadd.s32 s13, v28;
	v29 =	vor.u32 v38, v29  }
0x1e8: {  	v59 =	vld [tilespmem:s10+$0xFFFFFFB0];
	v27 =	vadd.s32 s13, v50;
	v28 =	vor.u32 v39, v28;
	v51 =	vand.u32 $0xFFFFFF80, v30  }
0x1e9: {  	v27 =	vor.u32 v41, v27;
	v52 =	vand.u32 $0x7F, v30;
	v35 =	vadd.s32 s13, v51;
	v21 =	vld.idx.msk [tilespmem:v21+s31+$0x0], $0xffff  }
0x1ea: {  	v26 =	vadd.s32 s14, v26;
	v53 =	vand.u32 $0xFFFFFF80, v20;
	v30 =	vor.u32 v52, v35;
	v25 =	vld.idx.msk [tilespmem:v25+s31+$0x0], $0xffff  }
0x1eb: {  	v19 =	vor.u32 v19, v26;
	v54 =	vand.u32 $0x7F, v20;
	v55 =	vadd.s32 s14, v53;
	v23 =	vld.idx.msk [tilespmem:v23+s31+$0x0], $0xffff  }
0x1ec: {  	v20 =	vor.u32 v54, v55;
	v29 =	vld.idx.msk [tilespmem:v29+s31+$0x0], $0xffff  }
0x1ed: {  	v13 =	vsub.f32 v22, v13;
	v56 =	vld.idx.msk [tilespmem:v28+s31+$0x0], $0xffff  }
0x1ee: {  	v0 =	vsub.f32 v24, v0;
	v1 =	vsub.f32 v34, v1;
	v57 =	vld.idx.msk [tilespmem:v27+s31+$0x0], $0xffff  }
0x1ef: {  	v5 =	vsub.f32 v49, v5;
	v2 =	vsub.f32 v48, v2;
	v58 =	vld.idx.msk [tilespmem:v30+s31+$0x0], $0xffff  }
0x1f0: {  	v6 =	vsub.f32 v32, v6;
	v7 =	vsub.f32 v36, v7;
	v13 =	vmul.f32 v13, v13;
	v19 =	vld.idx.msk [tilespmem:v19+s31+$0x0], $0xffff  }
0x1f1: {  	v0 =	vmul.f32 v0, v0;
	v20 =	vld.idx.msk [tilespmem:v20+s31+$0x0], $0xffff;
	v9 =	vsub.f32 v21, v9;
	v14 =	vsub.f32 v25, v14  }
0x1f2: {  	v5 =	vmul.f32 v5, v5;
	v15 =	vsub.f32 v23, v15;
	v12 =	vsub.f32 v29, v12  }
0x1f3: {  	v6 =	vmul.f32 v6, v6;
	v16 =	vsub.f32 v56, v16;
	v17 =	vsub.f32 v57, v17  }
0x1f4: {  	v14 =	vmul.f32 v14, v14;
	v15 =	vmul.f32 v15, v15;
	v18 =	vsub.f32 v58, v18  }
0x1f5: {  	v3 =	vsub.f32 v19, v3;
	v12 =	vmul.f32 v12, v12;
	v16 =	vmul.f32 v16, v16  }
0x1f6: {  	v60 =	vsub.f32 v20, v59;
	v17 =	vmul.f32 v17, v17;
	v18 =	vmul.f32 v18, v18  }
0x1f7: {  	v3 =	vmul.f32 v3, v3;
	v10 =	vadd.f32 v12, v10;
	v11 =	vadd.f32 v16, v11  }
0x1f8: {  	v61 =	vmul.f32 v60, v60;
	v4 =	vadd.f32 v17, v4;
	v8 =	vadd.f32 v18, v8  }
0x1f9: {  	v7 =	vmul.f32 v7, v7;
	v10 =	vadd.f32 v14, v10;
	v11 =	vadd.f32 v15, v11  }
0x1fa: {  	v62 =	vmul.f32 v9, v9;
	v3 =	vadd.f32 v3, v4;
	v4 =	vadd.f32 v61, v8  }
.Ltmp6:
0x1fb: {  	v1 =	vmul.f32 v1, v1;
	v5 =	vadd.f32 v5, v10;
	v6 =	vadd.f32 v6, v11;
	(pc) =	sbr.rel @p0 .LBB2_12-.Ltmp6, $3  }
0x1fc: {  	v63 =	vmul.f32 v2, v2;
	v7 =	vadd.f32 v7, v3;
	v4 =	vadd.f32 v62, v4  }
0x1fd: {  	v3 =	vadd.f32 v13, v5;
	v2 =	vadd.f32 v0, v6  }
0x1fe: {  	v1 =	vadd.f32 v1, v7;
	v0 =	vadd.f32 v63, v4;
	_ =	sdelay $0x1  }
0x1ff: {  	s9 =	sadd.s32 $0x7, s9  }
0x200: {  	s10 =	sshll.u32 s9, $0xD  }
0x201: {  	s10 =	sadd.s32 s6, s10  }
0x202: {  	s9 =	sshll.u32 s9, $0x7;
	s10 =	sshrl.u32 s10, $0x3  }
0x203: {  	s9 =	sadd.s32 s6, s9;
	s10 =	sadd.s32 s1, s10  }
0x204: {  	[tilespmem:s31], [sflag:$0x4] =	stream.linear.gather [hbm4b:s10+s5], $0x2000, $0x38;
	[tilespmem:$0x18080] =	vst v63  }
.Ltmp7:
0x205: {  	s9 =	sshrl.u32 s9, $0x3;
	(pc) =	sbr.rel .LBB2_2-.Ltmp7, $4  }
0x206: {  	s15 =	sadd.s32 s4, s9  }
0x207: {  	[tilespmem:s2], [sflag:$0x4] =	stream.strided.gather [hbm4b:s15+s21], $0x2000, s22, s21, $0x38;
	[tilespmem:$0x18080] =	vst v63  }
0x208: {  	s8 =	sadd.s32 $0x1, s8;
	s9 =	sadd.s32 s3, s9  }
0x209: {  	[tilespmem:s0], [sflag:$0x4] =	stream.strided.gather [hbm4b:s9+s21], $0x2000, s22, s21, $0x38;
	[tilespmem:$0x18080] =	vst v63  }
.LBB2_13:
0x20a: {  	_ =	sfence.sel $0x180000  }
0x20b: {  	[bflag:$0x0] =	sbarrier.arrive $0xFFFF  }
0x20c: {  	_ =	strace $0x90000047  }
0x20d: {  	s0 =	stileid.u32;
	[bflag:$0x2] =	sbarrier.arrive $0xFFFF  }
0x20e: {  	p0 =	sne.s32 s0, $0x0;
	s0 =	rddreg [dreg:$0x3]  }
0x20f: {  	s0 =	sadd.s32 @!p0 $0x100000, s0  }
0x210: {  	[sflag:s0] =	ssyncadd.tile.s32 @!p0 $0x1;
	_ =	shalt  }
.Lfunc_end2:
_tile_overlayer_lowered:
.L_overlay_start_2:
0x211: {  	(tag) =	ssettag $0x2  }
0x212: {  	s0 =	rddreg [dreg:$0x0];
	s2 =	stileid.u32  }
0x213: {  	s1 =	rddreg [dreg:$0x1];
	p0 =	sne.s32 s2, $0x0  }
0x214: {  	s3 =	rddreg [dreg:$0x2];
	[bflag:$0x3] =	sbarrier.arrive $0xFFFF;
	s2 =	simm.s32 @!p0 $0x1C05  }
0x215: {  	[timem:s3], [sflag:s2] =	dma.local @!p0 [hbm:s0], s1  }
0x216: {  	s0 =	simm.s32 @!p0 $0x5  }
0x217: {  	_ =	swait.ge @!p0 [sflag:s0], s1  }
0x218: {  	s1 =	ssub.s32 @!p0 $0x0, s1;
	[sflag:s0] =	ssyncset.done @!p0 $0x0  }
0x219: {  	[sflag:s0] =	ssyncadd.s32 @!p0 s1  }
0x21a: {  	[bflag:$0x3] =	sbarrier.arrive $0xFFFF  }
0x21b: {  	_ =	shalt  }

</sc_bundles>
